<compile_context>
chip_gen: v7x
topology: tpu7x:2x2x1
jax: 0.10.2.dev20260603
libtpu: 0.0.44.dev20260713+nightly
codegen_flags: <defaults>
</compile_context>

<pallas_src>
import functools

import jax
import jax.numpy as jnp
from jax import lax
from jax.experimental import pallas as pl
from jax.experimental.pallas import tpu as pltpu
from jax.experimental.pallas import tpu_sc as plsc

N_E = 8192
E_DIM = 32
N_ROWS = 8192
BETA = 0.25

NC, NS = 2, 16
NW = NC * NS
BPW = N_ROWS // NW
CH = 128
NCH = BPW // CH
HSL = N_E // NS


@functools.lru_cache(maxsize=None)
def _get_sc_call():
    mesh = plsc.VectorSubcoreMesh(core_axis_name="c", subcore_axis_name="s",
                                  num_cores=NC, num_subcores=NS)

    @functools.partial(
        pl.kernel,
        out_type=(
            jax.ShapeDtypeStruct((N_ROWS, E_DIM), jnp.float32),
            jax.ShapeDtypeStruct((NC, N_E), jnp.float32),
        ),
        mesh=mesh,
        compiler_params=pltpu.CompilerParams(use_tc_tiling_on_sc=False),
        scratch_types=[
            pltpu.VMEM((NCH, CH), jnp.int32),
            pltpu.VMEM((BPW, E_DIM), jnp.float32),
            pltpu.VMEM((CH,), jnp.float32),
            pltpu.VMEM((HSL,), jnp.float32),
            pltpu.VMEM_SHARED((N_E,), jnp.float32),
            pltpu.SemaphoreType.DMA,
        ],
    )
    def _sc_gather_hist(emb_hbm, idx_hbm, zq_hbm, hist_hbm,
                        idx_v, rows_v, ones_v, zeros_v, hist_sh, sem):
        cid = lax.axis_index("c")
        sid = lax.axis_index("s")
        wid = sid * NC + cid
        base = wid * BPW
        for j in range(NCH):
            pltpu.sync_copy(idx_hbm.at[pl.ds(base + j * CH, CH)], idx_v.at[j])
        for i in range(CH // 16):
            ones_v[pl.ds(i * 16, 16)] = jnp.ones((16,), jnp.float32)
        for i in range(HSL // 16):
            zeros_v[pl.ds(i * 16, 16)] = jnp.zeros((16,), jnp.float32)
        pltpu.sync_copy(zeros_v, hist_sh.at[pl.ds(sid * HSL, HSL)])
        descs = [pltpu.async_copy(emb_hbm.at[idx_v.at[j]],
                                  rows_v.at[pl.ds(j * CH, CH)], sem)
                 for j in range(NCH)]
        for dsc in descs:
            dsc.wait()
        zq_out = pltpu.async_copy(rows_v, zq_hbm.at[pl.ds(base, BPW)], sem)
        plsc.subcore_barrier()
        for j in range(NCH):
            pltpu.sync_copy(ones_v, hist_sh.at[idx_v.at[j]], add=True)
        zq_out.wait()
        plsc.subcore_barrier()

        @pl.when(sid == 0)
        def _():
            pltpu.sync_copy(hist_sh, hist_hbm.at[cid])

    return _sc_gather_hist


def _fin_body(zt_ref, zq_ref, hist_ref, loss_ref, perp_ref):
    diff = zq_ref[...] - zt_ref[...]
    s = jnp.sum(diff * diff)
    loss_ref[...] = (s * ((1.0 + BETA) / (N_ROWS * E_DIM))).reshape(1, 1)
    p = (hist_ref[0:1, :] + hist_ref[1:2, :]) * (1.0 / N_ROWS)
    ent = jnp.sum(p * jnp.log(p + 1e-10))
    perp_ref[...] = jnp.exp(-ent).reshape(1, 1)


_fin_call = pl.pallas_call(
    _fin_body,
    out_shape=[
        jax.ShapeDtypeStruct((1, 1), jnp.float32),
        jax.ShapeDtypeStruct((1, 1), jnp.float32),
    ],
)


def kernel(z, embedding):
    zp = jnp.transpose(z, (0, 2, 3, 1))
    z_flattened = zp.reshape(-1, E_DIM)
    d = (jnp.sum(z_flattened ** 2, axis=1, keepdims=True)
         + jnp.sum(embedding ** 2, axis=1)
         - 2.0 * jnp.matmul(z_flattened, embedding.T))
    idx = jnp.argmin(d, axis=1).astype(jnp.int32)

    zq_rows, hist = _get_sc_call()(embedding, idx)
    loss2, perp2 = _fin_call(z_flattened.reshape(2048, 128),
                             zq_rows.reshape(2048, 128), hist)
    z_q = jnp.transpose(zq_rows.reshape(8, 32, 32, E_DIM), (0, 3, 1, 2))
    return (z_q, loss2.reshape(()), perp2.reshape(()),
            idx.reshape(8, 1024))

# --- scband reference (transcript-rebuilt; emitter-appended) ---
"""Pipeline reference for scband-index-propagation-quantize-11166914969845 (READ-ONLY COPY).

The authoritative reference and input builder live on the scoring server;
editing this copy changes nothing except your own understanding.
"""

import jax, jax.numpy as jnp
import numpy as np

N_E = 8192
E_DIM = 32
BETA = 0.25


def setup_inputs(seed: int = 0) -> dict:
    key = jax.random.key(seed)
    k1, k2 = jax.random.split(key)
    z = jax.random.normal(k1, (8, 32, 32, 32), dtype=jnp.float32)
    embedding = jax.random.uniform(k2, (N_E, E_DIM), dtype=jnp.float32, minval=-1.0 / N_E, maxval=1.0 / N_E)
    return {"z": z, "embedding": embedding}


def reference(z, embedding):
    # z: [B, C, H, W] -> [B, H, W, C]
    zp = jnp.transpose(z, (0, 2, 3, 1))
    z_flattened = zp.reshape(-1, E_DIM)
    # squared L2 distances to codebook entries
    d = (jnp.sum(z_flattened ** 2, axis=1, keepdims=True)
         + jnp.sum(embedding ** 2, axis=1)
         - 2.0 * jnp.matmul(z_flattened, embedding.T))
    min_encoding_indices = jnp.argmin(d, axis=1)
    z_q = jnp.take(embedding, min_encoding_indices, axis=0).reshape(zp.shape)
    # legacy loss
    loss = (jnp.mean((jax.lax.stop_gradient(z_q) - zp) ** 2)
            + BETA * jnp.mean((z_q - jax.lax.stop_gradient(zp)) ** 2))
    # straight-through estimator
    z_q = zp + jax.lax.stop_gradient(z_q - zp)
    one_hot = jax.nn.one_hot(min_encoding_indices, N_E, dtype=zp.dtype)
    e_mean = jnp.mean(one_hot, axis=0)
    perplexity = jnp.exp(-jnp.sum(e_mean * jnp.log(e_mean + 1e-10)))
    idx_out = min_encoding_indices.reshape(zp.shape[0], -1).astype(jnp.int32)
    z_q = jnp.transpose(z_q, (0, 3, 1, 2))
    return (z_q, loss, perplexity, idx_out)

if __name__ == "__main__":
    import jax
    _d = setup_inputs()
    print(jax.jit(kernel)(*tuple(_d.values())))

</pallas_src>

<mosaic_0001>
#map = affine_map<(d0, d1) -> (0, 0)>
#map1 = affine_map<(d0, d1) -> (0)>
module attributes {stable_mosaic.version = 14 : i64} {
  func.func @_sc_gather_hist(%arg0: i32, %arg1: i32, %arg2: memref<8192x32xf32, #tpu.memory_space<hbm>>, %arg3: memref<8192xi32, #tpu.memory_space<hbm>>, %arg4: memref<8192x32xf32, #tpu.memory_space<hbm>>, %arg5: memref<2x8192xf32, #tpu.memory_space<hbm>>, %arg6: memref<2x128xi32, #tpu.memory_space<vmem>>, %arg7: memref<256x32xf32, #tpu.memory_space<vmem>>, %arg8: memref<128xf32, #tpu.memory_space<vmem>>, %arg9: memref<512xf32, #tpu.memory_space<vmem>>, %arg10: memref<8192xf32, #tpu.memory_space<vmem_shared>>, %arg11: memref<!tpu.dma_semaphore, #tpu.memory_space<semaphore_mem>>) attributes {dimension_semantics = [#tpu.dimension_semantics<core_parallel>, #tpu.dimension_semantics<subcore_parallel>], iteration_bounds = array<i64: 2, 16>, scalar_prefetch = 0 : i64, scratch_operands = 6 : i64, tpu.core_type = #tpu.core_type<sc_vector_subcore>, window_params = [{transform_indices = #map}, {transform_indices = #map1}, {transform_indices = #map}, {transform_indices = #map}]} {
    %mul3A = arith.constant 2 : i32
    %mul3A_0 = arith.muli %arg1, %mul3A : i32
    %add3A = arith.addi %mul3A_0, %arg0 : i32
    %mul3A_1 = arith.constant 256 : i32
    %mul3A_2 = arith.muli %add3A, %mul3A_1 : i32
    %add3A_3 = arith.constant 0 : i32
    %add3A_4 = arith.addi %mul3A_2, %add3A_3 : i32
    %run_scoped3A = arith.constant 0 : i32
    "tpu.region"() ({
      %run_scoped3A_299 = tpu.sem_alloc : memref<!tpu.dma_semaphore, #tpu.memory_space<semaphore_mem>>
      %dma_start3A_300 = arith.constant 0 : i32
      %dma_start3A_301 = tpu.memref_slice %arg6[%run_scoped3A, %dma_start3A_300] : memref<2x128xi32, #tpu.memory_space<vmem>> -> memref<1x128xi32, #tpu.memory_space<vmem>>
      %dma_start3A_302 = tpu.memref_squeeze %dma_start3A_301 : memref<1x128xi32, #tpu.memory_space<vmem>> -> memref<128xi32, #tpu.memory_space<vmem>>
      %dma_start3A_303 = tpu.memref_slice %arg3[%add3A_4] : memref<8192xi32, #tpu.memory_space<hbm>> -> memref<128xi32, #tpu.memory_space<hbm>>
      %dma_start3A_304 = arith.constant 0 : i32
      %dma_start3A_305 = tpu.memref_slice %arg6[%run_scoped3A, %dma_start3A_304] : memref<2x128xi32, #tpu.memory_space<vmem>> -> memref<1x128xi32, #tpu.memory_space<vmem>>
      %dma_start3A_306 = tpu.memref_squeeze %dma_start3A_305 : memref<1x128xi32, #tpu.memory_space<vmem>> -> memref<128xi32, #tpu.memory_space<vmem>>
      %dma_start3A_307 = tpu.memref_slice %arg3[%add3A_4] : memref<8192xi32, #tpu.memory_space<hbm>> -> memref<128xi32, #tpu.memory_space<hbm>>
      tpu.enqueue_dma source(%dma_start3A_307 : memref<128xi32, #tpu.memory_space<hbm>>) target(%dma_start3A_306 : memref<128xi32, #tpu.memory_space<vmem>>) target_semaphore(%run_scoped3A_299 : memref<!tpu.dma_semaphore, #tpu.memory_space<semaphore_mem>>)
      %dma_wait3A_308 = arith.constant 0 : i32
      %dma_wait3A_309 = tpu.memref_slice %arg6[%run_scoped3A, %dma_wait3A_308] : memref<2x128xi32, #tpu.memory_space<vmem>> -> memref<1x128xi32, #tpu.memory_space<vmem>>
      %dma_wait3A_310 = tpu.memref_squeeze %dma_wait3A_309 : memref<1x128xi32, #tpu.memory_space<vmem>> -> memref<128xi32, #tpu.memory_space<vmem>>
      %dma_wait3A_311 = tpu.memref_slice %arg3[%add3A_4] : memref<8192xi32, #tpu.memory_space<hbm>> -> memref<128xi32, #tpu.memory_space<hbm>>
      %dma_wait3A_312 = arith.constant 0 : i32
      %dma_wait3A_313 = tpu.memref_slice %arg6[%run_scoped3A, %dma_wait3A_312] : memref<2x128xi32, #tpu.memory_space<vmem>> -> memref<1x128xi32, #tpu.memory_space<vmem>>
      %dma_wait3A_314 = tpu.memref_squeeze %dma_wait3A_313 : memref<1x128xi32, #tpu.memory_space<vmem>> -> memref<128xi32, #tpu.memory_space<vmem>>
      %dma_wait3A_315 = tpu.memref_slice %arg3[%add3A_4] : memref<8192xi32, #tpu.memory_space<hbm>> -> memref<128xi32, #tpu.memory_space<hbm>>
      tpu.wait_dma2 semaphore(%run_scoped3A_299 : memref<!tpu.dma_semaphore, #tpu.memory_space<semaphore_mem>>) src(%dma_wait3A_315 : memref<128xi32, #tpu.memory_space<hbm>>) dst(%dma_wait3A_314 : memref<128xi32, #tpu.memory_space<vmem>>)
      tpu.yield
    }) : () -> ()
    %add3A_5 = arith.constant 128 : i32
    %add3A_6 = arith.addi %mul3A_2, %add3A_5 : i32
    %run_scoped3A_7 = arith.constant 1 : i32
    "tpu.region"() ({
      %run_scoped3A_299 = tpu.sem_alloc : memref<!tpu.dma_semaphore, #tpu.memory_space<semaphore_mem>>
      %dma_start3A_300 = arith.constant 0 : i32
      %dma_start3A_301 = tpu.memref_slice %arg6[%run_scoped3A_7, %dma_start3A_300] : memref<2x128xi32, #tpu.memory_space<vmem>> -> memref<1x128xi32, #tpu.memory_space<vmem>>
      %dma_start3A_302 = tpu.memref_squeeze %dma_start3A_301 : memref<1x128xi32, #tpu.memory_space<vmem>> -> memref<128xi32, #tpu.memory_space<vmem>>
      %dma_start3A_303 = tpu.memref_slice %arg3[%add3A_6] : memref<8192xi32, #tpu.memory_space<hbm>> -> memref<128xi32, #tpu.memory_space<hbm>>
      %dma_start3A_304 = arith.constant 0 : i32
      %dma_start3A_305 = tpu.memref_slice %arg6[%run_scoped3A_7, %dma_start3A_304] : memref<2x128xi32, #tpu.memory_space<vmem>> -> memref<1x128xi32, #tpu.memory_space<vmem>>
      %dma_start3A_306 = tpu.memref_squeeze %dma_start3A_305 : memref<1x128xi32, #tpu.memory_space<vmem>> -> memref<128xi32, #tpu.memory_space<vmem>>
      %dma_start3A_307 = tpu.memref_slice %arg3[%add3A_6] : memref<8192xi32, #tpu.memory_space<hbm>> -> memref<128xi32, #tpu.memory_space<hbm>>
      tpu.enqueue_dma source(%dma_start3A_307 : memref<128xi32, #tpu.memory_space<hbm>>) target(%dma_start3A_306 : memref<128xi32, #tpu.memory_space<vmem>>) target_semaphore(%run_scoped3A_299 : memref<!tpu.dma_semaphore, #tpu.memory_space<semaphore_mem>>)
      %dma_wait3A_308 = arith.constant 0 : i32
      %dma_wait3A_309 = tpu.memref_slice %arg6[%run_scoped3A_7, %dma_wait3A_308] : memref<2x128xi32, #tpu.memory_space<vmem>> -> memref<1x128xi32, #tpu.memory_space<vmem>>
      %dma_wait3A_310 = tpu.memref_squeeze %dma_wait3A_309 : memref<1x128xi32, #tpu.memory_space<vmem>> -> memref<128xi32, #tpu.memory_space<vmem>>
      %dma_wait3A_311 = tpu.memref_slice %arg3[%add3A_6] : memref<8192xi32, #tpu.memory_space<hbm>> -> memref<128xi32, #tpu.memory_space<hbm>>
      %dma_wait3A_312 = arith.constant 0 : i32
      %dma_wait3A_313 = tpu.memref_slice %arg6[%run_scoped3A_7, %dma_wait3A_312] : memref<2x128xi32, #tpu.memory_space<vmem>> -> memref<1x128xi32, #tpu.memory_space<vmem>>
      %dma_wait3A_314 = tpu.memref_squeeze %dma_wait3A_313 : memref<1x128xi32, #tpu.memory_space<vmem>> -> memref<128xi32, #tpu.memory_space<vmem>>
      %dma_wait3A_315 = tpu.memref_slice %arg3[%add3A_6] : memref<8192xi32, #tpu.memory_space<hbm>> -> memref<128xi32, #tpu.memory_space<hbm>>
      tpu.wait_dma2 semaphore(%run_scoped3A_299 : memref<!tpu.dma_semaphore, #tpu.memory_space<semaphore_mem>>) src(%dma_wait3A_315 : memref<128xi32, #tpu.memory_space<hbm>>) dst(%dma_wait3A_314 : memref<128xi32, #tpu.memory_space<vmem>>)
      tpu.yield
    }) : () -> ()
    %broadcast_in_dim3A = arith.constant 1.000000e+00 : f32
    %broadcast_in_dim3A_8 = vector.broadcast %broadcast_in_dim3A : f32 to vector<16xf32>
    %swap3A = arith.constant 0 : index
    %swap3A_9 = tpu.vector_load %arg8[%swap3A] {strides = array<i32>} : memref<128xf32, #tpu.memory_space<vmem>>, vector<16xf32>,
    %swap3A_10 = vector.shape_cast %swap3A_9 : vector<16xf32> to vector<16xf32>
    %swap3A_11 = vector.shape_cast %broadcast_in_dim3A_8 : vector<16xf32> to vector<16xf32>
    tpu.vector_store %arg8[%swap3A], %swap3A_11 {strides = array<i32>} : memref<128xf32, #tpu.memory_space<vmem>>, vector<16xf32>,
    %broadcast_in_dim3A_12 = arith.constant 1.000000e+00 : f32
    %broadcast_in_dim3A_13 = vector.broadcast %broadcast_in_dim3A_12 : f32 to vector<16xf32>
    %swap3A_14 = arith.constant 16 : index
    %swap3A_15 = tpu.vector_load %arg8[%swap3A_14] {strides = array<i32>} : memref<128xf32, #tpu.memory_space<vmem>>, vector<16xf32>,
    %swap3A_16 = vector.shape_cast %swap3A_15 : vector<16xf32> to vector<16xf32>
    %swap3A_17 = vector.shape_cast %broadcast_in_dim3A_13 : vector<16xf32> to vector<16xf32>
    tpu.vector_store %arg8[%swap3A_14], %swap3A_17 {strides = array<i32>} : memref<128xf32, #tpu.memory_space<vmem>>, vector<16xf32>,
    %broadcast_in_dim3A_18 = arith.constant 1.000000e+00 : f32
    %broadcast_in_dim3A_19 = vector.broadcast %broadcast_in_dim3A_18 : f32 to vector<16xf32>
    %swap3A_20 = arith.constant 32 : index
    %swap3A_21 = tpu.vector_load %arg8[%swap3A_20] {strides = array<i32>} : memref<128xf32, #tpu.memory_space<vmem>>, vector<16xf32>,
    %swap3A_22 = vector.shape_cast %swap3A_21 : vector<16xf32> to vector<16xf32>
    %swap3A_23 = vector.shape_cast %broadcast_in_dim3A_19 : vector<16xf32> to vector<16xf32>
    tpu.vector_store %arg8[%swap3A_20], %swap3A_23 {strides = array<i32>} : memref<128xf32, #tpu.memory_space<vmem>>, vector<16xf32>,
    %broadcast_in_dim3A_24 = arith.constant 1.000000e+00 : f32
    %broadcast_in_dim3A_25 = vector.broadcast %broadcast_in_dim3A_24 : f32 to vector<16xf32>
    %swap3A_26 = arith.constant 48 : index
    %swap3A_27 = tpu.vector_load %arg8[%swap3A_26] {strides = array<i32>} : memref<128xf32, #tpu.memory_space<vmem>>, vector<16xf32>,
    %swap3A_28 = vector.shape_cast %swap3A_27 : vector<16xf32> to vector<16xf32>
    %swap3A_29 = vector.shape_cast %broadcast_in_dim3A_25 : vector<16xf32> to vector<16xf32>
    tpu.vector_store %arg8[%swap3A_26], %swap3A_29 {strides = array<i32>} : memref<128xf32, #tpu.memory_space<vmem>>, vector<16xf32>,
    %broadcast_in_dim3A_30 = arith.constant 1.000000e+00 : f32
    %broadcast_in_dim3A_31 = vector.broadcast %broadcast_in_dim3A_30 : f32 to vector<16xf32>
    %swap3A_32 = arith.constant 64 : index
    %swap3A_33 = tpu.vector_load %arg8[%swap3A_32] {strides = array<i32>} : memref<128xf32, #tpu.memory_space<vmem>>, vector<16xf32>,
    %swap3A_34 = vector.shape_cast %swap3A_33 : vector<16xf32> to vector<16xf32>
    %swap3A_35 = vector.shape_cast %broadcast_in_dim3A_31 : vector<16xf32> to vector<16xf32>
    tpu.vector_store %arg8[%swap3A_32], %swap3A_35 {strides = array<i32>} : memref<128xf32, #tpu.memory_space<vmem>>, vector<16xf32>,
    %broadcast_in_dim3A_36 = arith.constant 1.000000e+00 : f32
    %broadcast_in_dim3A_37 = vector.broadcast %broadcast_in_dim3A_36 : f32 to vector<16xf32>
    %swap3A_38 = arith.constant 80 : index
    %swap3A_39 = tpu.vector_load %arg8[%swap3A_38] {strides = array<i32>} : memref<128xf32, #tpu.memory_space<vmem>>, vector<16xf32>,
    %swap3A_40 = vector.shape_cast %swap3A_39 : vector<16xf32> to vector<16xf32>
    %swap3A_41 = vector.shape_cast %broadcast_in_dim3A_37 : vector<16xf32> to vector<16xf32>
    tpu.vector_store %arg8[%swap3A_38], %swap3A_41 {strides = array<i32>} : memref<128xf32, #tpu.memory_space<vmem>>, vector<16xf32>,
    %broadcast_in_dim3A_42 = arith.constant 1.000000e+00 : f32
    %broadcast_in_dim3A_43 = vector.broadcast %broadcast_in_dim3A_42 : f32 to vector<16xf32>
    %swap3A_44 = arith.constant 96 : index
    %swap3A_45 = tpu.vector_load %arg8[%swap3A_44] {strides = array<i32>} : memref<128xf32, #tpu.memory_space<vmem>>, vector<16xf32>,
    %swap3A_46 = vector.shape_cast %swap3A_45 : vector<16xf32> to vector<16xf32>
    %swap3A_47 = vector.shape_cast %broadcast_in_dim3A_43 : vector<16xf32> to vector<16xf32>
    tpu.vector_store %arg8[%swap3A_44], %swap3A_47 {strides = array<i32>} : memref<128xf32, #tpu.memory_space<vmem>>, vector<16xf32>,
    %broadcast_in_dim3A_48 = arith.constant 1.000000e+00 : f32
    %broadcast_in_dim3A_49 = vector.broadcast %broadcast_in_dim3A_48 : f32 to vector<16xf32>
    %swap3A_50 = arith.constant 112 : index
    %swap3A_51 = tpu.vector_load %arg8[%swap3A_50] {strides = array<i32>} : memref<128xf32, #tpu.memory_space<vmem>>, vector<16xf32>,
    %swap3A_52 = vector.shape_cast %swap3A_51 : vector<16xf32> to vector<16xf32>
    %swap3A_53 = vector.shape_cast %broadcast_in_dim3A_49 : vector<16xf32> to vector<16xf32>
    tpu.vector_store %arg8[%swap3A_50], %swap3A_53 {strides = array<i32>} : memref<128xf32, #tpu.memory_space<vmem>>, vector<16xf32>,
    %broadcast_in_dim3A_54 = arith.constant 0.000000e+00 : f32
    %broadcast_in_dim3A_55 = vector.broadcast %broadcast_in_dim3A_54 : f32 to vector<16xf32>
    %swap3A_56 = arith.constant 0 : index
    %swap3A_57 = tpu.vector_load %arg9[%swap3A_56] {strides = array<i32>} : memref<512xf32, #tpu.memory_space<vmem>>, vector<16xf32>,
    %swap3A_58 = vector.shape_cast %swap3A_57 : vector<16xf32> to vector<16xf32>
    %swap3A_59 = vector.shape_cast %broadcast_in_dim3A_55 : vector<16xf32> to vector<16xf32>
    tpu.vector_store %arg9[%swap3A_56], %swap3A_59 {strides = array<i32>} : memref<512xf32, #tpu.memory_space<vmem>>, vector<16xf32>,
    %broadcast_in_dim3A_60 = arith.constant 0.000000e+00 : f32
    %broadcast_in_dim3A_61 = vector.broadcast %broadcast_in_dim3A_60 : f32 to vector<16xf32>
    %swap3A_62 = arith.constant 16 : index
    %swap3A_63 = tpu.vector_load %arg9[%swap3A_62] {strides = array<i32>} : memref<512xf32, #tpu.memory_space<vmem>>, vector<16xf32>,
    %swap3A_64 = vector.shape_cast %swap3A_63 : vector<16xf32> to vector<16xf32>
    %swap3A_65 = vector.shape_cast %broadcast_in_dim3A_61 : vector<16xf32> to vector<16xf32>
    tpu.vector_store %arg9[%swap3A_62], %swap3A_65 {strides = array<i32>} : memref<512xf32, #tpu.memory_space<vmem>>, vector<16xf32>,
    %broadcast_in_dim3A_66 = arith.constant 0.000000e+00 : f32
    %broadcast_in_dim3A_67 = vector.broadcast %broadcast_in_dim3A_66 : f32 to vector<16xf32>
    %swap3A_68 = arith.constant 32 : index
    %swap3A_69 = tpu.vector_load %arg9[%swap3A_68] {strides = array<i32>} : memref<512xf32, #tpu.memory_space<vmem>>, vector<16xf32>,
    %swap3A_70 = vector.shape_cast %swap3A_69 : vector<16xf32> to vector<16xf32>
    %swap3A_71 = vector.shape_cast %broadcast_in_dim3A_67 : vector<16xf32> to vector<16xf32>
    tpu.vector_store %arg9[%swap3A_68], %swap3A_71 {strides = array<i32>} : memref<512xf32, #tpu.memory_space<vmem>>, vector<16xf32>,
    %broadcast_in_dim3A_72 = arith.constant 0.000000e+00 : f32
    %broadcast_in_dim3A_73 = vector.broadcast %broadcast_in_dim3A_72 : f32 to vector<16xf32>
    %swap3A_74 = arith.constant 48 : index
    %swap3A_75 = tpu.vector_load %arg9[%swap3A_74] {strides = array<i32>} : memref<512xf32, #tpu.memory_space<vmem>>, vector<16xf32>,
    %swap3A_76 = vector.shape_cast %swap3A_75 : vector<16xf32> to vector<16xf32>
    %swap3A_77 = vector.shape_cast %broadcast_in_dim3A_73 : vector<16xf32> to vector<16xf32>
    tpu.vector_store %arg9[%swap3A_74], %swap3A_77 {strides = array<i32>} : memref<512xf32, #tpu.memory_space<vmem>>, vector<16xf32>,
    %broadcast_in_dim3A_78 = arith.constant 0.000000e+00 : f32
    %broadcast_in_dim3A_79 = vector.broadcast %broadcast_in_dim3A_78 : f32 to vector<16xf32>
    %swap3A_80 = arith.constant 64 : index
    %swap3A_81 = tpu.vector_load %arg9[%swap3A_80] {strides = array<i32>} : memref<512xf32, #tpu.memory_space<vmem>>, vector<16xf32>,
    %swap3A_82 = vector.shape_cast %swap3A_81 : vector<16xf32> to vector<16xf32>
    %swap3A_83 = vector.shape_cast %broadcast_in_dim3A_79 : vector<16xf32> to vector<16xf32>
    tpu.vector_store %arg9[%swap3A_80], %swap3A_83 {strides = array<i32>} : memref<512xf32, #tpu.memory_space<vmem>>, vector<16xf32>,
    %broadcast_in_dim3A_84 = arith.constant 0.000000e+00 : f32
    %broadcast_in_dim3A_85 = vector.broadcast %broadcast_in_dim3A_84 : f32 to vector<16xf32>
    %swap3A_86 = arith.constant 80 : index
    %swap3A_87 = tpu.vector_load %arg9[%swap3A_86] {strides = array<i32>} : memref<512xf32, #tpu.memory_space<vmem>>, vector<16xf32>,
    %swap3A_88 = vector.shape_cast %swap3A_87 : vector<16xf32> to vector<16xf32>
    %swap3A_89 = vector.shape_cast %broadcast_in_dim3A_85 : vector<16xf32> to vector<16xf32>
    tpu.vector_store %arg9[%swap3A_86], %swap3A_89 {strides = array<i32>} : memref<512xf32, #tpu.memory_space<vmem>>, vector<16xf32>,
    %broadcast_in_dim3A_90 = arith.constant 0.000000e+00 : f32
    %broadcast_in_dim3A_91 = vector.broadcast %broadcast_in_dim3A_90 : f32 to vector<16xf32>
    %swap3A_92 = arith.constant 96 : index
    %swap3A_93 = tpu.vector_load %arg9[%swap3A_92] {strides = array<i32>} : memref<512xf32, #tpu.memory_space<vmem>>, vector<16xf32>,
    %swap3A_94 = vector.shape_cast %swap3A_93 : vector<16xf32> to vector<16xf32>
    %swap3A_95 = vector.shape_cast %broadcast_in_dim3A_91 : vector<16xf32> to vector<16xf32>
    tpu.vector_store %arg9[%swap3A_92], %swap3A_95 {strides = array<i32>} : memref<512xf32, #tpu.memory_space<vmem>>, vector<16xf32>,
    %broadcast_in_dim3A_96 = arith.constant 0.000000e+00 : f32
    %broadcast_in_dim3A_97 = vector.broadcast %broadcast_in_dim3A_96 : f32 to vector<16xf32>
    %swap3A_98 = arith.constant 112 : index
    %swap3A_99 = tpu.vector_load %arg9[%swap3A_98] {strides = array<i32>} : memref<512xf32, #tpu.memory_space<vmem>>, vector<16xf32>,
    %swap3A_100 = vector.shape_cast %swap3A_99 : vector<16xf32> to vector<16xf32>
    %swap3A_101 = vector.shape_cast %broadcast_in_dim3A_97 : vector<16xf32> to vector<16xf32>
    tpu.vector_store %arg9[%swap3A_98], %swap3A_101 {strides = array<i32>} : memref<512xf32, #tpu.memory_space<vmem>>, vector<16xf32>,
    %broadcast_in_dim3A_102 = arith.constant 0.000000e+00 : f32
    %broadcast_in_dim3A_103 = vector.broadcast %broadcast_in_dim3A_102 : f32 to vector<16xf32>
    %swap3A_104 = arith.constant 128 : index
    %swap3A_105 = tpu.vector_load %arg9[%swap3A_104] {strides = array<i32>} : memref<512xf32, #tpu.memory_space<vmem>>, vector<16xf32>,
    %swap3A_106 = vector.shape_cast %swap3A_105 : vector<16xf32> to vector<16xf32>
    %swap3A_107 = vector.shape_cast %broadcast_in_dim3A_103 : vector<16xf32> to vector<16xf32>
    tpu.vector_store %arg9[%swap3A_104], %swap3A_107 {strides = array<i32>} : memref<512xf32, #tpu.memory_space<vmem>>, vector<16xf32>,
    %broadcast_in_dim3A_108 = arith.constant 0.000000e+00 : f32
    %broadcast_in_dim3A_109 = vector.broadcast %broadcast_in_dim3A_108 : f32 to vector<16xf32>
    %swap3A_110 = arith.constant 144 : index
    %swap3A_111 = tpu.vector_load %arg9[%swap3A_110] {strides = array<i32>} : memref<512xf32, #tpu.memory_space<vmem>>, vector<16xf32>,
    %swap3A_112 = vector.shape_cast %swap3A_111 : vector<16xf32> to vector<16xf32>
    %swap3A_113 = vector.shape_cast %broadcast_in_dim3A_109 : vector<16xf32> to vector<16xf32>
    tpu.vector_store %arg9[%swap3A_110], %swap3A_113 {strides = array<i32>} : memref<512xf32, #tpu.memory_space<vmem>>, vector<16xf32>,
    %broadcast_in_dim3A_114 = arith.constant 0.000000e+00 : f32
    %broadcast_in_dim3A_115 = vector.broadcast %broadcast_in_dim3A_114 : f32 to vector<16xf32>
    %swap3A_116 = arith.constant 160 : index
    %swap3A_117 = tpu.vector_load %arg9[%swap3A_116] {strides = array<i32>} : memref<512xf32, #tpu.memory_space<vmem>>, vector<16xf32>,
    %swap3A_118 = vector.shape_cast %swap3A_117 : vector<16xf32> to vector<16xf32>
    %swap3A_119 = vector.shape_cast %broadcast_in_dim3A_115 : vector<16xf32> to vector<16xf32>
    tpu.vector_store %arg9[%swap3A_116], %swap3A_119 {strides = array<i32>} : memref<512xf32, #tpu.memory_space<vmem>>, vector<16xf32>,
    %broadcast_in_dim3A_120 = arith.constant 0.000000e+00 : f32
    %broadcast_in_dim3A_121 = vector.broadcast %broadcast_in_dim3A_120 : f32 to vector<16xf32>
    %swap3A_122 = arith.constant 176 : index
    %swap3A_123 = tpu.vector_load %arg9[%swap3A_122] {strides = array<i32>} : memref<512xf32, #tpu.memory_space<vmem>>, vector<16xf32>,
    %swap3A_124 = vector.shape_cast %swap3A_123 : vector<16xf32> to vector<16xf32>
    %swap3A_125 = vector.shape_cast %broadcast_in_dim3A_121 : vector<16xf32> to vector<16xf32>
    tpu.vector_store %arg9[%swap3A_122], %swap3A_125 {strides = array<i32>} : memref<512xf32, #tpu.memory_space<vmem>>, vector<16xf32>,
    %broadcast_in_dim3A_126 = arith.constant 0.000000e+00 : f32
    %broadcast_in_dim3A_127 = vector.broadcast %broadcast_in_dim3A_126 : f32 to vector<16xf32>
    %swap3A_128 = arith.constant 192 : index
    %swap3A_129 = tpu.vector_load %arg9[%swap3A_128] {strides = array<i32>} : memref<512xf32, #tpu.memory_space<vmem>>, vector<16xf32>,
    %swap3A_130 = vector.shape_cast %swap3A_129 : vector<16xf32> to vector<16xf32>
    %swap3A_131 = vector.shape_cast %broadcast_in_dim3A_127 : vector<16xf32> to vector<16xf32>
    tpu.vector_store %arg9[%swap3A_128], %swap3A_131 {strides = array<i32>} : memref<512xf32, #tpu.memory_space<vmem>>, vector<16xf32>,
    %broadcast_in_dim3A_132 = arith.constant 0.000000e+00 : f32
    %broadcast_in_dim3A_133 = vector.broadcast %broadcast_in_dim3A_132 : f32 to vector<16xf32>
    %swap3A_134 = arith.constant 208 : index
    %swap3A_135 = tpu.vector_load %arg9[%swap3A_134] {strides = array<i32>} : memref<512xf32, #tpu.memory_space<vmem>>, vector<16xf32>,
    %swap3A_136 = vector.shape_cast %swap3A_135 : vector<16xf32> to vector<16xf32>
    %swap3A_137 = vector.shape_cast %broadcast_in_dim3A_133 : vector<16xf32> to vector<16xf32>
    tpu.vector_store %arg9[%swap3A_134], %swap3A_137 {strides = array<i32>} : memref<512xf32, #tpu.memory_space<vmem>>, vector<16xf32>,
    %broadcast_in_dim3A_138 = arith.constant 0.000000e+00 : f32
    %broadcast_in_dim3A_139 = vector.broadcast %broadcast_in_dim3A_138 : f32 to vector<16xf32>
    %swap3A_140 = arith.constant 224 : index
    %swap3A_141 = tpu.vector_load %arg9[%swap3A_140] {strides = array<i32>} : memref<512xf32, #tpu.memory_space<vmem>>, vector<16xf32>,
    %swap3A_142 = vector.shape_cast %swap3A_141 : vector<16xf32> to vector<16xf32>
    %swap3A_143 = vector.shape_cast %broadcast_in_dim3A_139 : vector<16xf32> to vector<16xf32>
    tpu.vector_store %arg9[%swap3A_140], %swap3A_143 {strides = array<i32>} : memref<512xf32, #tpu.memory_space<vmem>>, vector<16xf32>,
    %broadcast_in_dim3A_144 = arith.constant 0.000000e+00 : f32
    %broadcast_in_dim3A_145 = vector.broadcast %broadcast_in_dim3A_144 : f32 to vector<16xf32>
    %swap3A_146 = arith.constant 240 : index
    %swap3A_147 = tpu.vector_load %arg9[%swap3A_146] {strides = array<i32>} : memref<512xf32, #tpu.memory_space<vmem>>, vector<16xf32>,
    %swap3A_148 = vector.shape_cast %swap3A_147 : vector<16xf32> to vector<16xf32>
    %swap3A_149 = vector.shape_cast %broadcast_in_dim3A_145 : vector<16xf32> to vector<16xf32>
    tpu.vector_store %arg9[%swap3A_146], %swap3A_149 {strides = array<i32>} : memref<512xf32, #tpu.memory_space<vmem>>, vector<16xf32>,
    %broadcast_in_dim3A_150 = arith.constant 0.000000e+00 : f32
    %broadcast_in_dim3A_151 = vector.broadcast %broadcast_in_dim3A_150 : f32 to vector<16xf32>
    %swap3A_152 = arith.constant 256 : index
    %swap3A_153 = tpu.vector_load %arg9[%swap3A_152] {strides = array<i32>} : memref<512xf32, #tpu.memory_space<vmem>>, vector<16xf32>,
    %swap3A_154 = vector.shape_cast %swap3A_153 : vector<16xf32> to vector<16xf32>
    %swap3A_155 = vector.shape_cast %broadcast_in_dim3A_151 : vector<16xf32> to vector<16xf32>
    tpu.vector_store %arg9[%swap3A_152], %swap3A_155 {strides = array<i32>} : memref<512xf32, #tpu.memory_space<vmem>>, vector<16xf32>,
    %broadcast_in_dim3A_156 = arith.constant 0.000000e+00 : f32
    %broadcast_in_dim3A_157 = vector.broadcast %broadcast_in_dim3A_156 : f32 to vector<16xf32>
    %swap3A_158 = arith.constant 272 : index
    %swap3A_159 = tpu.vector_load %arg9[%swap3A_158] {strides = array<i32>} : memref<512xf32, #tpu.memory_space<vmem>>, vector<16xf32>,
    %swap3A_160 = vector.shape_cast %swap3A_159 : vector<16xf32> to vector<16xf32>
    %swap3A_161 = vector.shape_cast %broadcast_in_dim3A_157 : vector<16xf32> to vector<16xf32>
    tpu.vector_store %arg9[%swap3A_158], %swap3A_161 {strides = array<i32>} : memref<512xf32, #tpu.memory_space<vmem>>, vector<16xf32>,
    %broadcast_in_dim3A_162 = arith.constant 0.000000e+00 : f32
    %broadcast_in_dim3A_163 = vector.broadcast %broadcast_in_dim3A_162 : f32 to vector<16xf32>
    %swap3A_164 = arith.constant 288 : index
    %swap3A_165 = tpu.vector_load %arg9[%swap3A_164] {strides = array<i32>} : memref<512xf32, #tpu.memory_space<vmem>>, vector<16xf32>,
    %swap3A_166 = vector.shape_cast %swap3A_165 : vector<16xf32> to vector<16xf32>
    %swap3A_167 = vector.shape_cast %broadcast_in_dim3A_163 : vector<16xf32> to vector<16xf32>
    tpu.vector_store %arg9[%swap3A_164], %swap3A_167 {strides = array<i32>} : memref<512xf32, #tpu.memory_space<vmem>>, vector<16xf32>,
    %broadcast_in_dim3A_168 = arith.constant 0.000000e+00 : f32
    %broadcast_in_dim3A_169 = vector.broadcast %broadcast_in_dim3A_168 : f32 to vector<16xf32>
    %swap3A_170 = arith.constant 304 : index
    %swap3A_171 = tpu.vector_load %arg9[%swap3A_170] {strides = array<i32>} : memref<512xf32, #tpu.memory_space<vmem>>, vector<16xf32>,
    %swap3A_172 = vector.shape_cast %swap3A_171 : vector<16xf32> to vector<16xf32>
    %swap3A_173 = vector.shape_cast %broadcast_in_dim3A_169 : vector<16xf32> to vector<16xf32>
    tpu.vector_store %arg9[%swap3A_170], %swap3A_173 {strides = array<i32>} : memref<512xf32, #tpu.memory_space<vmem>>, vector<16xf32>,
    %broadcast_in_dim3A_174 = arith.constant 0.000000e+00 : f32
    %broadcast_in_dim3A_175 = vector.broadcast %broadcast_in_dim3A_174 : f32 to vector<16xf32>
    %swap3A_176 = arith.constant 320 : index
    %swap3A_177 = tpu.vector_load %arg9[%swap3A_176] {strides = array<i32>} : memref<512xf32, #tpu.memory_space<vmem>>, vector<16xf32>,
    %swap3A_178 = vector.shape_cast %swap3A_177 : vector<16xf32> to vector<16xf32>
    %swap3A_179 = vector.shape_cast %broadcast_in_dim3A_175 : vector<16xf32> to vector<16xf32>
    tpu.vector_store %arg9[%swap3A_176], %swap3A_179 {strides = array<i32>} : memref<512xf32, #tpu.memory_space<vmem>>, vector<16xf32>,
    %broadcast_in_dim3A_180 = arith.constant 0.000000e+00 : f32
    %broadcast_in_dim3A_181 = vector.broadcast %broadcast_in_dim3A_180 : f32 to vector<16xf32>
    %swap3A_182 = arith.constant 336 : index
    %swap3A_183 = tpu.vector_load %arg9[%swap3A_182] {strides = array<i32>} : memref<512xf32, #tpu.memory_space<vmem>>, vector<16xf32>,
    %swap3A_184 = vector.shape_cast %swap3A_183 : vector<16xf32> to vector<16xf32>
    %swap3A_185 = vector.shape_cast %broadcast_in_dim3A_181 : vector<16xf32> to vector<16xf32>
    tpu.vector_store %arg9[%swap3A_182], %swap3A_185 {strides = array<i32>} : memref<512xf32, #tpu.memory_space<vmem>>, vector<16xf32>,
    %broadcast_in_dim3A_186 = arith.constant 0.000000e+00 : f32
    %broadcast_in_dim3A_187 = vector.broadcast %broadcast_in_dim3A_186 : f32 to vector<16xf32>
    %swap3A_188 = arith.constant 352 : index
    %swap3A_189 = tpu.vector_load %arg9[%swap3A_188] {strides = array<i32>} : memref<512xf32, #tpu.memory_space<vmem>>, vector<16xf32>,
    %swap3A_190 = vector.shape_cast %swap3A_189 : vector<16xf32> to vector<16xf32>
    %swap3A_191 = vector.shape_cast %broadcast_in_dim3A_187 : vector<16xf32> to vector<16xf32>
    tpu.vector_store %arg9[%swap3A_188], %swap3A_191 {strides = array<i32>} : memref<512xf32, #tpu.memory_space<vmem>>, vector<16xf32>,
    %broadcast_in_dim3A_192 = arith.constant 0.000000e+00 : f32
    %broadcast_in_dim3A_193 = vector.broadcast %broadcast_in_dim3A_192 : f32 to vector<16xf32>
    %swap3A_194 = arith.constant 368 : index
    %swap3A_195 = tpu.vector_load %arg9[%swap3A_194] {strides = array<i32>} : memref<512xf32, #tpu.memory_space<vmem>>, vector<16xf32>,
    %swap3A_196 = vector.shape_cast %swap3A_195 : vector<16xf32> to vector<16xf32>
    %swap3A_197 = vector.shape_cast %broadcast_in_dim3A_193 : vector<16xf32> to vector<16xf32>
    tpu.vector_store %arg9[%swap3A_194], %swap3A_197 {strides = array<i32>} : memref<512xf32, #tpu.memory_space<vmem>>, vector<16xf32>,
    %broadcast_in_dim3A_198 = arith.constant 0.000000e+00 : f32
    %broadcast_in_dim3A_199 = vector.broadcast %broadcast_in_dim3A_198 : f32 to vector<16xf32>
    %swap3A_200 = arith.constant 384 : index
    %swap3A_201 = tpu.vector_load %arg9[%swap3A_200] {strides = array<i32>} : memref<512xf32, #tpu.memory_space<vmem>>, vector<16xf32>,
    %swap3A_202 = vector.shape_cast %swap3A_201 : vector<16xf32> to vector<16xf32>
    %swap3A_203 = vector.shape_cast %broadcast_in_dim3A_199 : vector<16xf32> to vector<16xf32>
    tpu.vector_store %arg9[%swap3A_200], %swap3A_203 {strides = array<i32>} : memref<512xf32, #tpu.memory_space<vmem>>, vector<16xf32>,
    %broadcast_in_dim3A_204 = arith.constant 0.000000e+00 : f32
    %broadcast_in_dim3A_205 = vector.broadcast %broadcast_in_dim3A_204 : f32 to vector<16xf32>
    %swap3A_206 = arith.constant 400 : index
    %swap3A_207 = tpu.vector_load %arg9[%swap3A_206] {strides = array<i32>} : memref<512xf32, #tpu.memory_space<vmem>>, vector<16xf32>,
    %swap3A_208 = vector.shape_cast %swap3A_207 : vector<16xf32> to vector<16xf32>
    %swap3A_209 = vector.shape_cast %broadcast_in_dim3A_205 : vector<16xf32> to vector<16xf32>
    tpu.vector_store %arg9[%swap3A_206], %swap3A_209 {strides = array<i32>} : memref<512xf32, #tpu.memory_space<vmem>>, vector<16xf32>,
    %broadcast_in_dim3A_210 = arith.constant 0.000000e+00 : f32
    %broadcast_in_dim3A_211 = vector.broadcast %broadcast_in_dim3A_210 : f32 to vector<16xf32>
    %swap3A_212 = arith.constant 416 : index
    %swap3A_213 = tpu.vector_load %arg9[%swap3A_212] {strides = array<i32>} : memref<512xf32, #tpu.memory_space<vmem>>, vector<16xf32>,
    %swap3A_214 = vector.shape_cast %swap3A_213 : vector<16xf32> to vector<16xf32>
    %swap3A_215 = vector.shape_cast %broadcast_in_dim3A_211 : vector<16xf32> to vector<16xf32>
    tpu.vector_store %arg9[%swap3A_212], %swap3A_215 {strides = array<i32>} : memref<512xf32, #tpu.memory_space<vmem>>, vector<16xf32>,
    %broadcast_in_dim3A_216 = arith.constant 0.000000e+00 : f32
    %broadcast_in_dim3A_217 = vector.broadcast %broadcast_in_dim3A_216 : f32 to vector<16xf32>
    %swap3A_218 = arith.constant 432 : index
    %swap3A_219 = tpu.vector_load %arg9[%swap3A_218] {strides = array<i32>} : memref<512xf32, #tpu.memory_space<vmem>>, vector<16xf32>,
    %swap3A_220 = vector.shape_cast %swap3A_219 : vector<16xf32> to vector<16xf32>
    %swap3A_221 = vector.shape_cast %broadcast_in_dim3A_217 : vector<16xf32> to vector<16xf32>
    tpu.vector_store %arg9[%swap3A_218], %swap3A_221 {strides = array<i32>} : memref<512xf32, #tpu.memory_space<vmem>>, vector<16xf32>,
    %broadcast_in_dim3A_222 = arith.constant 0.000000e+00 : f32
    %broadcast_in_dim3A_223 = vector.broadcast %broadcast_in_dim3A_222 : f32 to vector<16xf32>
    %swap3A_224 = arith.constant 448 : index
    %swap3A_225 = tpu.vector_load %arg9[%swap3A_224] {strides = array<i32>} : memref<512xf32, #tpu.memory_space<vmem>>, vector<16xf32>,
    %swap3A_226 = vector.shape_cast %swap3A_225 : vector<16xf32> to vector<16xf32>
    %swap3A_227 = vector.shape_cast %broadcast_in_dim3A_223 : vector<16xf32> to vector<16xf32>
    tpu.vector_store %arg9[%swap3A_224], %swap3A_227 {strides = array<i32>} : memref<512xf32, #tpu.memory_space<vmem>>, vector<16xf32>,
    %broadcast_in_dim3A_228 = arith.constant 0.000000e+00 : f32
    %broadcast_in_dim3A_229 = vector.broadcast %broadcast_in_dim3A_228 : f32 to vector<16xf32>
    %swap3A_230 = arith.constant 464 : index
    %swap3A_231 = tpu.vector_load %arg9[%swap3A_230] {strides = array<i32>} : memref<512xf32, #tpu.memory_space<vmem>>, vector<16xf32>,
    %swap3A_232 = vector.shape_cast %swap3A_231 : vector<16xf32> to vector<16xf32>
    %swap3A_233 = vector.shape_cast %broadcast_in_dim3A_229 : vector<16xf32> to vector<16xf32>
    tpu.vector_store %arg9[%swap3A_230], %swap3A_233 {strides = array<i32>} : memref<512xf32, #tpu.memory_space<vmem>>, vector<16xf32>,
    %broadcast_in_dim3A_234 = arith.constant 0.000000e+00 : f32
    %broadcast_in_dim3A_235 = vector.broadcast %broadcast_in_dim3A_234 : f32 to vector<16xf32>
    %swap3A_236 = arith.constant 480 : index
    %swap3A_237 = tpu.vector_load %arg9[%swap3A_236] {strides = array<i32>} : memref<512xf32, #tpu.memory_space<vmem>>, vector<16xf32>,
    %swap3A_238 = vector.shape_cast %swap3A_237 : vector<16xf32> to vector<16xf32>
    %swap3A_239 = vector.shape_cast %broadcast_in_dim3A_235 : vector<16xf32> to vector<16xf32>
    tpu.vector_store %arg9[%swap3A_236], %swap3A_239 {strides = array<i32>} : memref<512xf32, #tpu.memory_space<vmem>>, vector<16xf32>,
    %broadcast_in_dim3A_240 = arith.constant 0.000000e+00 : f32
    %broadcast_in_dim3A_241 = vector.broadcast %broadcast_in_dim3A_240 : f32 to vector<16xf32>
    %swap3A_242 = arith.constant 496 : index
    %swap3A_243 = tpu.vector_load %arg9[%swap3A_242] {strides = array<i32>} : memref<512xf32, #tpu.memory_space<vmem>>, vector<16xf32>,
    %swap3A_244 = vector.shape_cast %swap3A_243 : vector<16xf32> to vector<16xf32>
    %swap3A_245 = vector.shape_cast %broadcast_in_dim3A_241 : vector<16xf32> to vector<16xf32>
    tpu.vector_store %arg9[%swap3A_242], %swap3A_245 {strides = array<i32>} : memref<512xf32, #tpu.memory_space<vmem>>, vector<16xf32>,
    %mul3A_246 = arith.constant 512 : i32
    %mul3A_247 = arith.muli %arg1, %mul3A_246 : i32
    "tpu.region"() ({
      %run_scoped3A_299 = tpu.sem_alloc : memref<!tpu.dma_semaphore, #tpu.memory_space<semaphore_mem>>
      %dma_start3A_300 = tpu.memref_slice %arg10[%mul3A_247] : memref<8192xf32, #tpu.memory_space<vmem_shared>> -> memref<512xf32, #tpu.memory_space<vmem_shared>>
      %dma_start3A_301 = tpu.memref_slice %arg10[%mul3A_247] : memref<8192xf32, #tpu.memory_space<vmem_shared>> -> memref<512xf32, #tpu.memory_space<vmem_shared>>
      tpu.enqueue_dma source(%arg9 : memref<512xf32, #tpu.memory_space<vmem>>) target(%dma_start3A_301 : memref<512xf32, #tpu.memory_space<vmem_shared>>) target_semaphore(%run_scoped3A_299 : memref<!tpu.dma_semaphore, #tpu.memory_space<semaphore_mem>>)
      %dma_wait3A_302 = tpu.memref_slice %arg10[%mul3A_247] : memref<8192xf32, #tpu.memory_space<vmem_shared>> -> memref<512xf32, #tpu.memory_space<vmem_shared>>
      %dma_wait3A_303 = tpu.memref_slice %arg10[%mul3A_247] : memref<8192xf32, #tpu.memory_space<vmem_shared>> -> memref<512xf32, #tpu.memory_space<vmem_shared>>
      tpu.wait_dma2 semaphore(%run_scoped3A_299 : memref<!tpu.dma_semaphore, #tpu.memory_space<semaphore_mem>>) src(%arg9 : memref<512xf32, #tpu.memory_space<vmem>>) dst(%dma_wait3A_303 : memref<512xf32, #tpu.memory_space<vmem_shared>>)
      tpu.yield
    }) : () -> ()
    %dma_start3A = arith.constant 0 : i32
    %dma_start3A_248 = arith.constant 0 : i32
    %dma_start3A_249 = arith.constant 0 : i32
    %dma_start3A_250 = tpu.memref_slice %arg7[%dma_start3A_248, %dma_start3A_249] : memref<256x32xf32, #tpu.memory_space<vmem>> -> memref<128x32xf32, #tpu.memory_space<vmem>>
    %dma_start3A_251 = arith.constant 0 : i32
    %dma_start3A_252 = tpu.memref_slice %arg6[%dma_start3A, %dma_start3A_251] : memref<2x128xi32, #tpu.memory_space<vmem>> -> memref<1x128xi32, #tpu.memory_space<vmem>>
    %dma_start3A_253 = tpu.memref_squeeze %dma_start3A_252 : memref<1x128xi32, #tpu.memory_space<vmem>> -> memref<128xi32, #tpu.memory_space<vmem>>
    %dma_start3A_254 = arith.constant 0 : i32
    %dma_start3A_255 = arith.constant 0 : i32
    %dma_start3A_256 = tpu.memref_slice %arg2[%dma_start3A_254, %dma_start3A_255] : memref<8192x32xf32, #tpu.memory_space<hbm>> -> memref<8192x32xf32, #tpu.memory_space<hbm>>
    tpu.enqueue_indirect_dma source(%dma_start3A_256 : memref<8192x32xf32, #tpu.memory_space<hbm>>) target(%dma_start3A_250 : memref<128x32xf32, #tpu.memory_space<vmem>>) offsets(%dma_start3A_253 : memref<128xi32, #tpu.memory_space<vmem>>) semaphore(%arg11 : memref<!tpu.dma_semaphore, #tpu.memory_space<semaphore_mem>>)
    %dma_start3A_257 = arith.constant 1 : i32
    %dma_start3A_258 = arith.constant 128 : i32
    %dma_start3A_259 = arith.constant 0 : i32
    %dma_start3A_260 = tpu.memref_slice %arg7[%dma_start3A_258, %dma_start3A_259] : memref<256x32xf32, #tpu.memory_space<vmem>> -> memref<128x32xf32, #tpu.memory_space<vmem>>
    %dma_start3A_261 = arith.constant 0 : i32
    %dma_start3A_262 = tpu.memref_slice %arg6[%dma_start3A_257, %dma_start3A_261] : memref<2x128xi32, #tpu.memory_space<vmem>> -> memref<1x128xi32, #tpu.memory_space<vmem>>
    %dma_start3A_263 = tpu.memref_squeeze %dma_start3A_262 : memref<1x128xi32, #tpu.memory_space<vmem>> -> memref<128xi32, #tpu.memory_space<vmem>>
    %dma_start3A_264 = arith.constant 0 : i32
    %dma_start3A_265 = arith.constant 0 : i32
    %dma_start3A_266 = tpu.memref_slice %arg2[%dma_start3A_264, %dma_start3A_265] : memref<8192x32xf32, #tpu.memory_space<hbm>> -> memref<8192x32xf32, #tpu.memory_space<hbm>>
    tpu.enqueue_indirect_dma source(%dma_start3A_266 : memref<8192x32xf32, #tpu.memory_space<hbm>>) target(%dma_start3A_260 : memref<128x32xf32, #tpu.memory_space<vmem>>) offsets(%dma_start3A_263 : memref<128xi32, #tpu.memory_space<vmem>>) semaphore(%arg11 : memref<!tpu.dma_semaphore, #tpu.memory_space<semaphore_mem>>)
    %dma_wait3A = arith.constant 0 : i32
    %dma_wait3A_267 = arith.constant 0 : i32
    %dma_wait3A_268 = arith.constant 0 : i32
    %dma_wait3A_269 = tpu.memref_slice %arg7[%dma_wait3A_267, %dma_wait3A_268] : memref<256x32xf32, #tpu.memory_space<vmem>> -> memref<128x32xf32, #tpu.memory_space<vmem>>
    %dma_wait3A_270 = arith.constant 0 : i32
    %dma_wait3A_271 = tpu.memref_slice %arg6[%dma_wait3A, %dma_wait3A_270] : memref<2x128xi32, #tpu.memory_space<vmem>> -> memref<1x128xi32, #tpu.memory_space<vmem>>
    %dma_wait3A_272 = tpu.memref_squeeze %dma_wait3A_271 : memref<1x128xi32, #tpu.memory_space<vmem>> -> memref<128xi32, #tpu.memory_space<vmem>>
    %dma_wait3A_273 = arith.constant 0 : i32
    %dma_wait3A_274 = arith.constant 0 : i32
    %dma_wait3A_275 = tpu.memref_slice %arg2[%dma_wait3A_273, %dma_wait3A_274] : memref<8192x32xf32, #tpu.memory_space<hbm>> -> memref<8192x32xf32, #tpu.memory_space<hbm>>
    tpu.wait_indirect_dma semaphore(%arg11 : memref<!tpu.dma_semaphore, #tpu.memory_space<semaphore_mem>>) src(%dma_wait3A_275 : memref<8192x32xf32, #tpu.memory_space<hbm>>) dst(%dma_wait3A_269 : memref<128x32xf32, #tpu.memory_space<vmem>>)
    %dma_wait3A_276 = arith.constant 1 : i32
    %dma_wait3A_277 = arith.constant 128 : i32
    %dma_wait3A_278 = arith.constant 0 : i32
    %dma_wait3A_279 = tpu.memref_slice %arg7[%dma_wait3A_277, %dma_wait3A_278] : memref<256x32xf32, #tpu.memory_space<vmem>> -> memref<128x32xf32, #tpu.memory_space<vmem>>
    %dma_wait3A_280 = arith.constant 0 : i32
    %dma_wait3A_281 = tpu.memref_slice %arg6[%dma_wait3A_276, %dma_wait3A_280] : memref<2x128xi32, #tpu.memory_space<vmem>> -> memref<1x128xi32, #tpu.memory_space<vmem>>
    %dma_wait3A_282 = tpu.memref_squeeze %dma_wait3A_281 : memref<1x128xi32, #tpu.memory_space<vmem>> -> memref<128xi32, #tpu.memory_space<vmem>>
    %dma_wait3A_283 = arith.constant 0 : i32
    %dma_wait3A_284 = arith.constant 0 : i32
    %dma_wait3A_285 = tpu.memref_slice %arg2[%dma_wait3A_283, %dma_wait3A_284] : memref<8192x32xf32, #tpu.memory_space<hbm>> -> memref<8192x32xf32, #tpu.memory_space<hbm>>
    tpu.wait_indirect_dma semaphore(%arg11 : memref<!tpu.dma_semaphore, #tpu.memory_space<semaphore_mem>>) src(%dma_wait3A_285 : memref<8192x32xf32, #tpu.memory_space<hbm>>) dst(%dma_wait3A_279 : memref<128x32xf32, #tpu.memory_space<vmem>>)
    %dma_start3A_286 = arith.constant 0 : i32
    %dma_start3A_287 = tpu.memref_slice %arg4[%mul3A_2, %dma_start3A_286] : memref<8192x32xf32, #tpu.memory_space<hbm>> -> memref<256x32xf32, #tpu.memory_space<hbm>>
    %dma_start3A_288 = arith.constant 0 : i32
    %dma_start3A_289 = tpu.memref_slice %arg4[%mul3A_2, %dma_start3A_288] : memref<8192x32xf32, #tpu.memory_space<hbm>> -> memref<256x32xf32, #tpu.memory_space<hbm>>
    tpu.enqueue_dma source(%arg7 : memref<256x32xf32, #tpu.memory_space<vmem>>) target(%dma_start3A_289 : memref<256x32xf32, #tpu.memory_space<hbm>>) target_semaphore(%arg11 : memref<!tpu.dma_semaphore, #tpu.memory_space<semaphore_mem>>)
    %barrier3A = arith.constant 0 : index
    tpu.barrier barrier_id(%barrier3A)
    %run_scoped3A_290 = arith.constant 0 : i32
    "tpu.region"() ({
      %run_scoped3A_299 = tpu.sem_alloc : memref<!tpu.dma_semaphore, #tpu.memory_space<semaphore_mem>>
      %dma_start3A_300 = arith.constant 0 : i32
      %dma_start3A_301 = tpu.memref_slice %arg6[%run_scoped3A_290, %dma_start3A_300] : memref<2x128xi32, #tpu.memory_space<vmem>> -> memref<1x128xi32, #tpu.memory_space<vmem>>
      %dma_start3A_302 = tpu.memref_squeeze %dma_start3A_301 : memref<1x128xi32, #tpu.memory_space<vmem>> -> memref<128xi32, #tpu.memory_space<vmem>>
      %dma_start3A_303 = arith.constant 0 : i32
      %dma_start3A_304 = tpu.memref_slice %arg10[%dma_start3A_303] : memref<8192xf32, #tpu.memory_space<vmem_shared>> -> memref<8192xf32, #tpu.memory_space<vmem_shared>>
      tpu.enqueue_indirect_dma source(%arg8 : memref<128xf32, #tpu.memory_space<vmem>>) target(%dma_start3A_304 : memref<8192xf32, #tpu.memory_space<vmem_shared>>) offsets(%dma_start3A_302 : memref<128xi32, #tpu.memory_space<vmem>>) semaphore(%run_scoped3A_299 : memref<!tpu.dma_semaphore, #tpu.memory_space<semaphore_mem>>) {add = true}
      %dma_wait3A_305 = arith.constant 0 : i32
      %dma_wait3A_306 = tpu.memref_slice %arg6[%run_scoped3A_290, %dma_wait3A_305] : memref<2x128xi32, #tpu.memory_space<vmem>> -> memref<1x128xi32, #tpu.memory_space<vmem>>
      %dma_wait3A_307 = tpu.memref_squeeze %dma_wait3A_306 : memref<1x128xi32, #tpu.memory_space<vmem>> -> memref<128xi32, #tpu.memory_space<vmem>>
      %dma_wait3A_308 = arith.constant 0 : i32
      %dma_wait3A_309 = tpu.memref_slice %arg10[%dma_wait3A_308] : memref<8192xf32, #tpu.memory_space<vmem_shared>> -> memref<8192xf32, #tpu.memory_space<vmem_shared>>
      tpu.wait_indirect_dma semaphore(%run_scoped3A_299 : memref<!tpu.dma_semaphore, #tpu.memory_space<semaphore_mem>>) src(%arg8 : memref<128xf32, #tpu.memory_space<vmem>>) dst(%dma_wait3A_309 : memref<8192xf32, #tpu.memory_space<vmem_shared>>)
      tpu.yield
    }) : () -> ()
    %run_scoped3A_291 = arith.constant 1 : i32
    "tpu.region"() ({
      %run_scoped3A_299 = tpu.sem_alloc : memref<!tpu.dma_semaphore, #tpu.memory_space<semaphore_mem>>
      %dma_start3A_300 = arith.constant 0 : i32
      %dma_start3A_301 = tpu.memref_slice %arg6[%run_scoped3A_291, %dma_start3A_300] : memref<2x128xi32, #tpu.memory_space<vmem>> -> memref<1x128xi32, #tpu.memory_space<vmem>>
      %dma_start3A_302 = tpu.memref_squeeze %dma_start3A_301 : memref<1x128xi32, #tpu.memory_space<vmem>> -> memref<128xi32, #tpu.memory_space<vmem>>
      %dma_start3A_303 = arith.constant 0 : i32
      %dma_start3A_304 = tpu.memref_slice %arg10[%dma_start3A_303] : memref<8192xf32, #tpu.memory_space<vmem_shared>> -> memref<8192xf32, #tpu.memory_space<vmem_shared>>
      tpu.enqueue_indirect_dma source(%arg8 : memref<128xf32, #tpu.memory_space<vmem>>) target(%dma_start3A_304 : memref<8192xf32, #tpu.memory_space<vmem_shared>>) offsets(%dma_start3A_302 : memref<128xi32, #tpu.memory_space<vmem>>) semaphore(%run_scoped3A_299 : memref<!tpu.dma_semaphore, #tpu.memory_space<semaphore_mem>>) {add = true}
      %dma_wait3A_305 = arith.constant 0 : i32
      %dma_wait3A_306 = tpu.memref_slice %arg6[%run_scoped3A_291, %dma_wait3A_305] : memref<2x128xi32, #tpu.memory_space<vmem>> -> memref<1x128xi32, #tpu.memory_space<vmem>>
      %dma_wait3A_307 = tpu.memref_squeeze %dma_wait3A_306 : memref<1x128xi32, #tpu.memory_space<vmem>> -> memref<128xi32, #tpu.memory_space<vmem>>
      %dma_wait3A_308 = arith.constant 0 : i32
      %dma_wait3A_309 = tpu.memref_slice %arg10[%dma_wait3A_308] : memref<8192xf32, #tpu.memory_space<vmem_shared>> -> memref<8192xf32, #tpu.memory_space<vmem_shared>>
      tpu.wait_indirect_dma semaphore(%run_scoped3A_299 : memref<!tpu.dma_semaphore, #tpu.memory_space<semaphore_mem>>) src(%arg8 : memref<128xf32, #tpu.memory_space<vmem>>) dst(%dma_wait3A_309 : memref<8192xf32, #tpu.memory_space<vmem_shared>>)
      tpu.yield
    }) : () -> ()
    %dma_wait3A_292 = arith.constant 0 : i32
    %dma_wait3A_293 = tpu.memref_slice %arg4[%mul3A_2, %dma_wait3A_292] : memref<8192x32xf32, #tpu.memory_space<hbm>> -> memref<256x32xf32, #tpu.memory_space<hbm>>
    %dma_wait3A_294 = arith.constant 0 : i32
    %dma_wait3A_295 = tpu.memref_slice %arg4[%mul3A_2, %dma_wait3A_294] : memref<8192x32xf32, #tpu.memory_space<hbm>> -> memref<256x32xf32, #tpu.memory_space<hbm>>
    tpu.wait_dma2 semaphore(%arg11 : memref<!tpu.dma_semaphore, #tpu.memory_space<semaphore_mem>>) src(%arg7 : memref<256x32xf32, #tpu.memory_space<vmem>>) dst(%dma_wait3A_295 : memref<256x32xf32, #tpu.memory_space<hbm>>)
    %barrier3A_296 = arith.constant 0 : index
    tpu.barrier barrier_id(%barrier3A_296)
    %eq3A = arith.constant 0 : i32
    %eq3A_297 = arith.cmpi eq, %arg1, %eq3A : i32
    %convert_element_type3A = arith.extui %eq3A_297 : i1 to i32
    %cond3A = arith.constant 0 : i32
    %cond3A_298 = arith.cmpi ne, %convert_element_type3A, %cond3A : i32
    scf.if %cond3A_298 {
      "tpu.region"() ({
        %run_scoped3A_299 = tpu.sem_alloc : memref<!tpu.dma_semaphore, #tpu.memory_space<semaphore_mem>>
        %dma_start3A_300 = arith.constant 0 : i32
        %dma_start3A_301 = tpu.memref_slice %arg5[%arg0, %dma_start3A_300] : memref<2x8192xf32, #tpu.memory_space<hbm>> -> memref<1x8192xf32, #tpu.memory_space<hbm>>
        %dma_start3A_302 = tpu.memref_squeeze %dma_start3A_301 : memref<1x8192xf32, #tpu.memory_space<hbm>> -> memref<8192xf32, #tpu.memory_space<hbm>>
        tpu.enqueue_dma source(%arg10 : memref<8192xf32, #tpu.memory_space<vmem_shared>>) target(%dma_start3A_302 : memref<8192xf32, #tpu.memory_space<hbm>>) target_semaphore(%run_scoped3A_299 : memref<!tpu.dma_semaphore, #tpu.memory_space<semaphore_mem>>)
        %dma_wait3A_303 = arith.constant 0 : i32
        %dma_wait3A_304 = tpu.memref_slice %arg5[%arg0, %dma_wait3A_303] : memref<2x8192xf32, #tpu.memory_space<hbm>> -> memref<1x8192xf32, #tpu.memory_space<hbm>>
        %dma_wait3A_305 = tpu.memref_squeeze %dma_wait3A_304 : memref<1x8192xf32, #tpu.memory_space<hbm>> -> memref<8192xf32, #tpu.memory_space<hbm>>
        tpu.wait_dma2 semaphore(%run_scoped3A_299 : memref<!tpu.dma_semaphore, #tpu.memory_space<semaphore_mem>>) src(%arg10 : memref<8192xf32, #tpu.memory_space<vmem_shared>>) dst(%dma_wait3A_305 : memref<8192xf32, #tpu.memory_space<hbm>>)
        tpu.yield
      }) : () -> ()
    } else {
    }
    return
  }
}

module attributes {stable_mosaic.version = 14 : i64} {
  func.func @_fin_body(%arg0: memref<2048x128xf32, #tpu.memory_space<vmem>>, %arg1: memref<2048x128xf32, #tpu.memory_space<vmem>>, %arg2: memref<2x8192xf32, #tpu.memory_space<vmem>>, %arg3: memref<1x1xf32, #tpu.memory_space<vmem>>, %arg4: memref<1x1xf32, #tpu.memory_space<vmem>>) attributes {dimension_semantics = [], scalar_prefetch = 0 : i64, scratch_operands = 0 : i64, tpu.core_type = #tpu.core_type<tc>} {
    %get3A = arith.constant 0 : index
    %get3A_0 = arith.constant 0 : index
    %get3A_1 = vector.load %arg1[%get3A, %get3A_0] : memref<2048x128xf32, #tpu.memory_space<vmem>>, vector<2048x128xf32>
    %get3A_2 = arith.constant 0 : index
    %get3A_3 = arith.constant 0 : index
    %get3A_4 = vector.load %arg0[%get3A_2, %get3A_3] : memref<2048x128xf32, #tpu.memory_space<vmem>>, vector<2048x128xf32>
    %sub3A = arith.subf %get3A_1, %get3A_4 : vector<2048x128xf32>
    %mul3A = arith.mulf %sub3A, %sub3A : vector<2048x128xf32>
    %reduce_sum3A = vector.shape_cast %mul3A : vector<2048x128xf32> to vector<1x2048x128xf32>
    %reduce_sum3A_5 = arith.constant dense<0.000000e+00> : vector<1xf32>
    %reduce_sum3A_6 = vector.multi_reduction <add>, %reduce_sum3A, %reduce_sum3A_5 [1, 2] : vector<1x2048x128xf32> to vector<1xf32>
    %reduce_sum3A_7 = vector.shape_cast %reduce_sum3A_6 : vector<1xf32> to vector<1x1x1xf32>
    %reduce_sum3A_8 = vector.extract %reduce_sum3A_7[0, 0, 0] : f32 from vector<1x1x1xf32>
    %mul3A_9 = arith.constant 4.76837158E-6 : f32
    %mul3A_10 = arith.mulf %reduce_sum3A_8, %mul3A_9 : f32
    %reshape3A = vector.broadcast %mul3A_10 : f32 to vector<1x1xf32>
    %swap3A = arith.constant 0 : index
    %swap3A_11 = arith.constant 0 : index
    %swap3A_12 = vector.load %arg3[%swap3A, %swap3A_11] : memref<1x1xf32, #tpu.memory_space<vmem>>, vector<1x1xf32>
    tpu.vector_store %arg3[%swap3A, %swap3A_11], %reshape3A {strides = array<i32>} : memref<1x1xf32, #tpu.memory_space<vmem>>, vector<1x1xf32>,
    %get3A_13 = arith.constant 0 : index
    %get3A_14 = arith.constant 0 : index
    %get3A_15 = vector.load %arg2[%get3A_13, %get3A_14] : memref<2x8192xf32, #tpu.memory_space<vmem>>, vector<1x8192xf32>
    %get3A_16 = arith.constant 1 : index
    %get3A_17 = arith.constant 0 : index
    %get3A_18 = vector.load %arg2[%get3A_16, %get3A_17] : memref<2x8192xf32, #tpu.memory_space<vmem>>, vector<1x8192xf32>
    %add3A = arith.addf %get3A_15, %get3A_18 : vector<1x8192xf32>
    %mul3A_19 = arith.constant 1.22070313E-4 : f32
    %mul3A_20 = vector.broadcast %mul3A_19 : f32 to vector<1x8192xf32>
    %mul3A_21 = arith.mulf %add3A, %mul3A_20 : vector<1x8192xf32>
    %add3A_22 = arith.constant 1.000000e-10 : f32
    %add3A_23 = vector.broadcast %add3A_22 : f32 to vector<1x8192xf32>
    %add3A_24 = arith.addf %mul3A_21, %add3A_23 : vector<1x8192xf32>
    %log3A = math.log %add3A_24 : vector<1x8192xf32>
    %mul3A_25 = arith.mulf %mul3A_21, %log3A : vector<1x8192xf32>
    %reduce_sum3A_26 = vector.shape_cast %mul3A_25 : vector<1x8192xf32> to vector<1x1x8192xf32>
    %reduce_sum3A_27 = arith.constant dense<0.000000e+00> : vector<1xf32>
    %reduce_sum3A_28 = vector.multi_reduction <add>, %reduce_sum3A_26, %reduce_sum3A_27 [1, 2] : vector<1x1x8192xf32> to vector<1xf32>
    %reduce_sum3A_29 = vector.shape_cast %reduce_sum3A_28 : vector<1xf32> to vector<1x1x1xf32>
    %reduce_sum3A_30 = vector.extract %reduce_sum3A_29[0, 0, 0] : f32 from vector<1x1x1xf32>
    %neg3A = arith.constant 0.000000e+00 : f32
    %neg3A_31 = arith.subf %neg3A, %reduce_sum3A_30 : f32
    %exp3A = math.exp %neg3A_31 : f32
    %reshape3A_32 = vector.broadcast %exp3A : f32 to vector<1x1xf32>
    %swap3A_33 = arith.constant 0 : index
    %swap3A_34 = arith.constant 0 : index
    %swap3A_35 = vector.load %arg4[%swap3A_33, %swap3A_34] : memref<1x1xf32, #tpu.memory_space<vmem>>, vector<1x1xf32>
    tpu.vector_store %arg4[%swap3A_33, %swap3A_34], %reshape3A_32 {strides = array<i32>} : memref<1x1xf32, #tpu.memory_space<vmem>>, vector<1x1xf32>,
    return
  }
}

</mosaic_0001>

<sc_bundles>
// kernel: kernel.4.cloned.1.call-start
scs
__scs_entry_jumppad:
0x0: {  	(pc) =	sbr.rel $0x88, $3  }
0x1: {  	(tag) =	ssettag $0x0;
	lr =	simm.s32 $0x1  }
0x2: {  	[smem:$0x3F9F] =	sst lr;
	_ =	strace $0xD0000000  }
0x3: {  	_ = 	snop  }
0x4: {  	_ = 	snop  }
0x5: {  	_ = 	snop  }
0x6: {  	_ = 	snop  }
0x7: {  	_ = 	snop  }
__scs_overlays_trampoline_lowered:
0x8: {  	[smem:$0x3FAE] =	sst s0  }
0x9: {  	[smem:$0x3FAF] =	sst s1  }
0xa: {  	[smem:$0x3FB0] =	sst s2  }
0xb: {  	[smem:$0x3FB1] =	sst s3  }
0xc: {  	[smem:$0x3FB2] =	sst s4  }
0xd: {  	[smem:$0x3FB3] =	sst s5  }
0xe: {  	[smem:$0x3FB4] =	sst s6  }
0xf: {  	[smem:$0x3FB5] =	sst s7  }
0x10: {  	[smem:$0x3FB6] =	sst s8  }
0x11: {  	[smem:$0x3FB7] =	sst s9;
	s0 =	simm.s32 @!p0 $0x0  }
0x12: {  	s1 =	sld [smem:$0x3F9D];
	s0 =	simm.s32 @p0 $0x1  }
0x13: {  	[smem:$0x3FB8] =	sst s0;
	s0 =	simm.s32 @!p1 $0x0  }
0x14: {  	s2 =	sld [smem:$0x3F9C];
	s0 =	simm.s32 @p1 $0x1  }
0x15: {  	[smem:$0x3FB9] =	sst s0;
	s0 =	simm.s32 @!p2 $0x0  }
0x16: {  	s3 =	sld [smem:$0x3FDB];
	s0 =	simm.s32 @p2 $0x1  }
0x17: {  	s4 =	simm.s32 $0x1BF5;
	[smem:$0x3FBB] =	sst s0  }
0x18: {  	s0 =	sld [smem:$0x3F9E];
	_ =	swait.ge [sflag:s4], $0x0  }
0x19: {  	s7 =	sld [smem:$0x3F9F]  }
0x1a: {  	s8 =	sadd.s32 $0xFFFFE003, lr  }
0x1b: {  	s9 =	sadd.s32 $0xFFFFFEF7, lr;
	s5 =	simm.s32 $0xFFFFFFFF;
	p2 =	slt.u32 s8, $0xFFFFF086  }
0x1c: {  	p1 =	slt.u32 s9, $0xF7A;
	s5 =	simm.s32 @!p2 $0x0  }
0x1d: {  	s5 =	simm.s32 @p1 $0x1;
	p0 =	seq.s32 s7, s2  }
0x1e: {  	s7 =	smul.u32 @!p0 $0xF7A, s2;
	p2 =	seq.s32 @!p0 s5, $0x0  }
0x1f: {  	s9 =	smul.u32 $0xF7A, s1;
	s8 =	simm.s32 @!p0 $0x1BF5;
	p2 =	por !p2, p0  }
0x20: {  	[sflag:s8] =	ssyncset.s32 @!p0 $0xFFFFF086;
	s6 =	sadd.s32 @!p0 s3, s7;
	s7 =	simm.s32 @!p0 $0x108  }
0x21: {  	s3 =	sadd.s32 s3, s9;
	s6 =	sadd.s32 @!p0 $0x88, s6;
	s7 =	simm.s32 @p2 $0x1082  }
0x22: {  	[simem:s7], [sflag:s8] =	dma.local @!p0 [hbm:s6], $0xF7A  }
0x23: {  	s9 =	sor.u32 $0xD0000000, s2;
	s6 =	simm.s32 $0x108;
	_ =	swait.ge @!p0 [sflag:s8], $0x0  }
0x24: {  	s3 =	sadd.s32 $0x88, s3;
	s6 =	simm.s32 @!p1 $0x1082;
	[sflag:s4] =	ssyncset.s32 $0xFFFFF086  }
0x25: {  	[simem:s6], [sflag:s4] =	dma.local [hbm:s3], $0xF7A  }
0x26: {  	[smem:$0x3F9F] =	sst s1;
	(tag) =	ssettag s2;
	_ =	strace s9  }
0x27: {  	s1 =	sld [smem:$0x3FAF]  }
0x28: {  	s2 =	sld [smem:$0x3FB0]  }
0x29: {  	s4 =	sld [smem:$0x3FB2]  }
0x2a: {  	p0 =	seq.s32 s5, $0x0;
	s5 =	sld [smem:$0x3FB3]  }
0x2b: {  	s6 =	sld [smem:$0x3FB4]  }
0x2c: {  	s7 =	sld [smem:$0x3FB5]  }
0x2d: {  	s3 =	simm.s32 $0x108;
	s8 =	sld [smem:$0x3FB6]  }
0x2e: {  	s3 =	simm.s32 @!p0 $0x1082;
	s9 =	sld [smem:$0x3FB7]  }
0x2f: {  	lr =	sadd.s32 s0, s3;
	s0 =	sld [smem:$0x3FAE]  }
0x30: {  	s3 =	sld [smem:$0x3FB1]  }
0x31: {  	[smem:$0x3FBA] =	sst s10  }
0x32: {  	s10 =	sld [smem:$0x3FB8];
	_ =	sdelay $0x3  }
0x33: {  	p0 =	seq.s32 s10, $0x1;
	s10 =	sld [smem:$0x3FBA];
	_ =	sdelay $0x3  }
0x34: {  	[smem:$0x3FBA] =	sst s10  }
0x35: {  	s10 =	sld [smem:$0x3FB9];
	_ =	sdelay $0x3  }
0x36: {  	p1 =	seq.s32 s10, $0x1;
	s10 =	sld [smem:$0x3FBA];
	_ =	sdelay $0x3  }
0x37: {  	[smem:$0x3FBA] =	sst s10  }
0x38: {  	s10 =	sld [smem:$0x3FBB]  }
0x39: {  	_ = 	snop;
	(pc) =	sbr.ind lr, $3  }
0x3a: {  	_ = 	snop  }
0x3b: {  	_ = 	snop  }
0x3c: {  	p2 =	seq.s32 s10, $0x1;
	s10 =	sld [smem:$0x3FBA]  }
0x3d: {  	_ =	shalt  }
0x3e: {  	_ =	shalt  }
0x3f: {  	_ =	shalt  }
0x40: {  	_ =	shalt  }
0x41: {  	_ =	shalt  }
0x42: {  	_ =	shalt  }
0x43: {  	_ =	shalt  }
0x44: {  	_ =	shalt  }
0x45: {  	_ =	shalt  }
0x46: {  	_ =	shalt  }
0x47: {  	_ =	shalt  }
0x48: {  	_ =	shalt  }
0x49: {  	_ =	shalt  }
0x4a: {  	_ =	shalt  }
0x4b: {  	_ =	shalt  }
0x4c: {  	_ =	shalt  }
0x4d: {  	_ =	shalt  }
0x4e: {  	_ =	shalt  }
0x4f: {  	_ =	shalt  }
0x50: {  	_ =	shalt  }
0x51: {  	_ =	shalt  }
0x52: {  	_ =	shalt  }
0x53: {  	_ =	shalt  }
0x54: {  	_ =	shalt  }
0x55: {  	_ =	shalt  }
0x56: {  	_ =	shalt  }
0x57: {  	_ =	shalt  }
0x58: {  	_ =	shalt  }
0x59: {  	_ =	shalt  }
0x5a: {  	_ =	shalt  }
0x5b: {  	_ =	shalt  }
0x5c: {  	_ =	shalt  }
0x5d: {  	_ =	shalt  }
0x5e: {  	_ =	shalt  }
0x5f: {  	_ =	shalt  }
0x60: {  	_ =	shalt  }
0x61: {  	_ =	shalt  }
0x62: {  	_ =	shalt  }
0x63: {  	_ =	shalt  }
0x64: {  	_ =	shalt  }
0x65: {  	_ =	shalt  }
0x66: {  	_ =	shalt  }
0x67: {  	_ =	shalt  }
0x68: {  	_ =	shalt  }
0x69: {  	_ =	shalt  }
0x6a: {  	_ =	shalt  }
0x6b: {  	_ =	shalt  }
0x6c: {  	_ =	shalt  }
0x6d: {  	_ =	shalt  }
0x6e: {  	_ =	shalt  }
0x6f: {  	_ =	shalt  }
0x70: {  	_ =	shalt  }
0x71: {  	_ =	shalt  }
0x72: {  	_ =	shalt  }
0x73: {  	_ =	shalt  }
0x74: {  	_ =	shalt  }
0x75: {  	_ =	shalt  }
0x76: {  	_ =	shalt  }
0x77: {  	_ =	shalt  }
0x78: {  	_ =	shalt  }
0x79: {  	_ =	shalt  }
0x7a: {  	_ =	shalt  }
0x7b: {  	_ =	shalt  }
0x7c: {  	_ =	shalt  }
0x7d: {  	_ =	shalt  }
0x7e: {  	_ =	shalt  }
0x7f: {  	_ =	shalt  }
0x80: {  	_ =	shalt  }
0x81: {  	_ =	shalt  }
0x82: {  	_ =	shalt  }
0x83: {  	_ =	shalt  }
0x84: {  	_ =	shalt  }
0x85: {  	_ =	shalt  }
0x86: {  	_ =	shalt  }
0x87: {  	_ =	shalt  }
.Lfunc_end0:
.L_simem_size_0:
called_computation_lowered:
.L_overlay_start_0:
0x88: {  	s2 =	sld [smem:$0x3FD9]  }
0x89: {  	s3 =	sld [smem:$0x3FFE];
	_ =	sdelay $0x1  }
0x8a: {  	s1 =	srdreg.scid  }
0x8b: {  	s0 =	sand.u32 $0x1, s1  }
0x8c: {  	s14 =	sshll.u32 s0, $0xA;
	s2 =	sadd.s32 s3, s2  }
0x8d: {  	s2 =	sadd.s32 s2, s14  }
0x8e: {  	[smem:$0x3FC6] =	sst s2  }
0x8f: {  	_ = 	snop  }
0x90: {  	s2 =	sld [smem:$0x3FD0];
	_ =	sdelay $0x2  }
0x91: {  	s15 =	simm.s32 $0xA;
	s4 =	simm.s32 $0x10  }
0x92: {  	[smem:s4], [sflag:s15] =	dma.local [hbm:s2], $0x1  }
0x93: {  	_ =	swait.eq [sflag:s15], $0x1  }
0x94: {  	[sflag:s15] =	ssyncset.done $0x0  }
0x95: {  	[sflag:s15] =	ssyncadd.s32 $0xFFFFFFFF  }
0x96: {  	s16 =	sld [smem:$0x10];
	(tm) =	ssettm $0x1  }
0x97: {  	s17 =	sld [smem:$0x3FFB];
	_ =	sdelay $0x3  }
0x98: {  	_ =	strace s17  }
0x99: {  	s3 =	sld [smem:$0x3FFC];
	_ =	sdelay $0x3  }
0x9a: {  	_ =	strace s3  }
0x9b: {  	s3 =	sld [smem:$0x3FFD];
	_ =	sdelay $0x3  }
0x9c: {  	_ =	strace s3  }
0x9d: {  	_ =	strace $0x8FFFFFFF  }
0x9e: {  	s18 =	sld [smem:$0x3FDB];
	_ =	sdelay $0x1  }
0x9f: {  	s19 =	simm.s32 $_scs_section_size  }
0xa0: {  	s5 =	simm.s32 $_size__tile_overlayer_lowered;
	s6 =	simm.s32 $_tile_overlayer_lowered  }
0xa1: {  	s22 =	simm.s32 $0x1BFF;
	s21 =	sshll.u32 s6, $0x1;
	s3 =	sadd.s32 s19, s18  }
0xa2: {  	s7 =	simm.s32 $0x0;
	s20 =	sshll.u32 s5, $0x1;
	s5 =	sadd.s32 s21, s3  }
0xa3: {  	[timem:s7], [sflag:s22] =	dma.local [hbm:s5], s20  }
0xa4: {  	_ =	swait.ge [sflag:s22], s20  }
0xa5: {  	s4 =	ssub.s32 $0x0, s20;
	[sflag:s22] =	ssyncset.done $0x0  }
0xa6: {  	[sflag:s22] =	ssyncadd.s32 s4;
	_ =	sdelay $0x1  }
0xa7: {  	s23 =	simm.s32 $0x1B8B  }
0xa8: {  	_ =	swait.ge [sflag:s23], $0x1  }
0xa9: {  	[sflag:s23] =	ssyncset.done $0x0  }
0xaa: {  	s25 =	simm.s32 $0x1B8E;
	s24 =	sld [smem:$0x3FFE];
	[sflag:s23] =	ssyncadd.s32 $0xFFFFFFFF  }
0xab: {  	s26 =	simm.s32 $execute0_lowered;
	[smem:$0x3FD2] =	sst s25  }
0xac: {  	s5 =	sshll.u32 s26, $0x1;
	_ =	strace $0x80000046;
	[dreg:$0x1] =	wrdreg $0xFFFFFFFF  }
0xad: {  	s28 =	simm.s32 $_size_execute0_lowered;
	s3 =	sadd.s32 s3, s5;
	[dreg:$0x0] =	wrdreg $0x0  }
0xae: {  	s5 =	sshll.u32 s28, $0x1;
	[dreg:$0x2] =	wrdreg s3  }
0xaf: {  	[dreg:$0x3] =	wrdreg s5  }
0xb0: {  	[dreg:$0x4] =	wrdreg $0xC0  }
0xb1: {  	_ =	task [dreg:s7], $0x5FFFF  }
0xb2: {  	[dreg:$0x1] =	wrdreg $0xFFFFFFFF  }
0xb3: {  	[dreg:$0x0] =	wrdreg $0x60  }
0xb4: {  	[dreg:$0x2] =	wrdreg s16  }
0xb5: {  	[dreg:$0x3] =	wrdreg s24  }
0xb6: {  	[dreg:$0x4] =	wrdreg $0x23800  }
0xb7: {  	[dreg:$0x5] =	wrdreg $0x9  }
0xb8: {  	_ =	task.clear_ibuf [dreg:s7], $0x6FFFF;
	_ =	strace $0x90000046  }
0xb9: {  	s29 =	simm.s32 $0x9;
	_ =	strace $0x80000048  }
0xba: {  	_ =	swait.ge [sflag:s29], $0x1  }
0xbb: {  	[sflag:s29] =	ssyncadd.s32 $0xFFFFFFFF  }
0xbc: {  	_ =	strace $0x90000048  }
0xbd: {  	_ =	sfence  }
0xbe: {  	s30 =	sld [smem:$0x0];
	_ =	sdelay $0x2  }
0xbf: {  	s31 =	sshll.u32 s1, $0xD;
	s1 =	sshrl.u32 s1, $0x2  }
0xc0: {  	s3 =	sand.u32 $0x4000, s31;
	s1 =	sadd.s32 s1, s30  }
0xc1: {  	s0 =	sor.u32 s3, s0;
	s1 =	sshll.u32 s1, $0x11  }
0xc2: {  	s0 =	sor.u32 s1, s0  }
0xc3: {  	s0 =	sadd.s32 $0x8F2B, s0  }
0xc4: {  	[sflag:s0] =	ssyncadd.remote.s32 $0x1  }
0xc5: {  	_ =	sfence.sel $0xFFFF  }
0xc6: {  	[dreg:$0x0] =	wrdreg $0xFFFFFFFF;
	(pc) =	sbr.abs _section_cstart, $3  }
0xc7: {  	[dreg:$0x1] =	wrdreg $0xFFFFFFFF  }
0xc8: {  	_ =	task.clear_ibuf [dreg:s7], $0x2FFFF;
	_ =	strace $0x9FFFFFFF  }
0xc9: {  	(tm) =	ssettm $0x7FFFFFFF  }
tec
execute0_lowered:
.L_overlay_start_1:
0x0: {  	(tag) =	ssettag $0x1  }
0x1: {  	s3 =	rddreg [dreg:$0x0];
	s0 =	srdreg.scid  }
0x2: {  	s8 =	rddreg [dreg:$0x1];
	s9 =	stileid.u32;
	s10 =	sand.u32 $0x1, s0  }
0x3: {  	s1 =	rddreg [dreg:$0x2];
	s11 =	sshll.u32 s9, $0x9;
	s2 =	sshll.u32 s10, $0x8  }
0x4: {  	s4 =	simm.s32 $0x0;
	s0 =	rddreg [dreg:$0x3];
	s12 =	sor.u32 s2, s11  }
0x5: {  	[smem:$0x7FF] =	sst s4;
	s2 =	sshrl.u32 s12, $0x3  }
0x6: {  	_ =	strace $0x80000047;
	s6 =	sadd.s32 s8, s2;
	s2 =	simm.s32 $0x2  }
0x7: {  	[tilespmem:s4], [sflag:$0x2] =	stream.linear.gather [hbm4b:s6+s4], $0x80, $0x38;
	[tilespmem:$0x2580] =	vst v63  }
0x8: {  	_ =	swait.ge [sflag:s2], $0x80  }
0x9: {  	[sflag:s2] =	ssyncset.done $0x0  }
0xa: {  	s5 =	simm.s32 $0x80;
	s7 =	sadd.s32 $0x10, s6;
	[sflag:s2] =	ssyncadd.s32 $0xFFFFFF80  }
0xb: {  	[tilespmem:s5], [sflag:$0x2] =	stream.linear.gather [hbm4b:s7+s4], $0x80, $0x38;
	[tilespmem:$0x2580] =	vst v63  }
0xc: {  	_ =	swait.ge [sflag:s2], $0x80  }
0xd: {  	[sflag:s2] =	ssyncset.done $0x0  }
0xe: {  	v0 =	vimm.f32 $0.0e+00;
	[sflag:s2] =	ssyncadd.s32 $0xFFFFFF80  }
0xf: {  	[tilespmem:$0x2370] =	vst v0  }
0x10: {  	[tilespmem:$0x2360] =	vst v0  }
0x11: {  	[tilespmem:$0x2350] =	vst v0  }
0x12: {  	[tilespmem:$0x2340] =	vst v0  }
0x13: {  	[tilespmem:$0x2330] =	vst v0  }
0x14: {  	[tilespmem:$0x2320] =	vst v0  }
0x15: {  	[tilespmem:$0x2310] =	vst v0  }
0x16: {  	[tilespmem:$0x2300] =	vst v0  }
0x17: {  	[tilespmem:$0x22F0] =	vst v0  }
0x18: {  	[tilespmem:$0x22E0] =	vst v0  }
0x19: {  	[tilespmem:$0x22D0] =	vst v0  }
0x1a: {  	[tilespmem:$0x22C0] =	vst v0  }
0x1b: {  	[tilespmem:$0x22B0] =	vst v0  }
0x1c: {  	[tilespmem:$0x22A0] =	vst v0  }
0x1d: {  	[tilespmem:$0x2290] =	vst v0  }
0x1e: {  	[tilespmem:$0x2280] =	vst v0  }
0x1f: {  	[tilespmem:$0x2270] =	vst v0  }
0x20: {  	[tilespmem:$0x2260] =	vst v0  }
0x21: {  	[tilespmem:$0x2250] =	vst v0  }
0x22: {  	[tilespmem:$0x2240] =	vst v0  }
0x23: {  	s13 =	ssub.s32 $0x2, s10;
	[tilespmem:$0x2230] =	vst v0  }
0x24: {  	s14 =	sshrl.u32 s13, $0x1;
	[tilespmem:$0x2220] =	vst v0  }
0x25: {  	s13 =	ssub.s32 s13, s14;
	[tilespmem:$0x2210] =	vst v0  }
0x26: {  	s31 =	smax.u32 s13, $0x1;
	[tilespmem:$0x2200] =	vst v0  }
0x27: {  	s17 =	sadd.s32 $0xFFFFFFFF, s31;
	[tilespmem:$0x21F0] =	vst v0  }
0x28: {  	p1 =	sne.s32 s17, $0x0;
	[tilespmem:$0x21E0] =	vst v0  }
.Ltmp0:
0x29: {  	s16 =	simm.s32 $0x2180;
	p0 =	sne.s32 s9, $0x0;
	[tilespmem:$0x21D0] =	vst v0;
	(pc) =	sbr.rel @!p1 .LBB2_2-.Ltmp0, $4  }
0x2a: {  	s15 =	simm.s32 $0x1100;
	s10 =	sshll.u32 s10, $0xA;
	s9 =	sshrl.u32 @!p0 s1, $0x3;
	[tilespmem:$0x21C0] =	vst v0  }
0x2b: {  	s12 =	sshll.u32 s12, $0x2;
	s14 =	sadd.s32 s11, s1;
	s11 =	simm.s32 $0x1;
	[tilespmem:$0x21B0] =	vst v0  }
0x2c: {  	s12 =	sadd.s32 s12, s8;
	s8 =	sadd.s32 s10, s8;
	s13 =	simm.s32 $0x2100;
	[tilespmem:$0x21A0] =	vst v0  }
0x2d: {  	v1 =	vimm.f32 $1.000000000e+00;
	s10 =	sadd.s32 $0xC00, s12;
	s8 =	sadd.s32 $0x400, s8;
	s12 =	simm.s32 $0x100;
	[tilespmem:$0x2190] =	vst v0  }
.LBB2_1:
0x2e: {  	s17 =	sadd.s32 $0xFFFFFFFF, s17;
	[tilespmem:$0x2180] =	vst v0  }
0x2f: {  	p1 =	sne.s32 s17, $0x0;
	[tilespmem:$0x2170] =	vst v1  }
0x30: {  	[tilespmem:$0x2160] =	vst v1  }
0x31: {  	[tilespmem:$0x2150] =	vst v1  }
0x32: {  	[tilespmem:$0x2140] =	vst v1  }
0x33: {  	[tilespmem:$0x2130] =	vst v1  }
0x34: {  	[tilespmem:$0x2120] =	vst v1  }
0x35: {  	[tilespmem:$0x2100] =	vst v1  }
0x36: {  	[tilespmem:$0x2110] =	vst v1  }
0x37: {  	[spmem:s14] =	stream.linear.scatter [tilespmem:s16], [sflag:$0x2], $0x200, $0x38;
	[tilespmem:$0x2580] =	vst v63  }
0x38: {  	_ =	swait.ge [sflag:s2], $0x200  }
0x39: {  	[sflag:s2] =	ssyncset.done $0x0  }
0x3a: {  	[sflag:s2] =	ssyncadd.s32 $0xFFFFFE00  }
0x3b: {  	[tilespmem:s12], [sflag:$0x1] =	stream.indirect.gather [hbm4b:s3+s5], $0x20, s4, s5, $0xb8;
	[tilespmem:$0x2580] =	vst v63  }
0x3c: {  	_ = 	snop  }
0x3d: {  	[tilespmem:s15], [sflag:$0x1] =	stream.indirect.gather [hbm4b:s3+s5], $0x20, s5, s5, $0xb8;
	[tilespmem:$0x2580] =	vst v63  }
0x3e: {  	_ =	swait.ge [sflag:s11], $0x1000  }
0x3f: {  	[sflag:s11] =	ssyncset.done $0x0  }
0x40: {  	[sflag:s11] =	ssyncadd.s32 $0xFFFFF000  }
0x41: {  	_ =	swait.ge [sflag:s11], $0x1000  }
0x42: {  	[sflag:s11] =	ssyncset.done $0x0  }
0x43: {  	[sflag:s11] =	ssyncadd.s32 $0xFFFFF000  }
0x44: {  	[hbm4b:s10+s4] =	stream.linear.scatter [tilespmem:s12], [sflag:$0x1], $0x2000, $0x38;
	[tilespmem:$0x2580] =	vst v63  }
0x45: {  	[bflag:$0x0] =	sbarrier.arrive $0xFFFF  }
0x46: {  	[spmem:s1] =	stream.indirect.scatter.add.f32 [tilespmem:s13], [sflag:$0x2], $0x1, s4, s5, $0xb8;
	[tilespmem:$0x2580] =	vst v63  }
0x47: {  	_ =	swait.ge [sflag:s2], $0x80  }
0x48: {  	[sflag:s2] =	ssyncset.done $0x0  }
0x49: {  	[sflag:s2] =	ssyncadd.s32 $0xFFFFFF80  }
0x4a: {  	[spmem:s1] =	stream.indirect.scatter.add.f32 [tilespmem:s13], [sflag:$0x2], $0x1, s5, s5, $0xb8;
	[tilespmem:$0x2580] =	vst v63  }
0x4b: {  	_ =	swait.ge [sflag:s2], $0x80  }
0x4c: {  	[sflag:s2] =	ssyncset.done $0x0  }
0x4d: {  	[sflag:s2] =	ssyncadd.s32 $0xFFFFFF80  }
0x4e: {  	_ =	swait.ge [sflag:s11], $0x2000  }
0x4f: {  	[sflag:s11] =	ssyncset.done $0x0  }
0x50: {  	s18 =	simm.s32 @!p0 $0x1C02;
	[sflag:s11] =	ssyncadd.s32 $0xFFFFE000  }
0x51: {  	s19 =	simm.s32 @!p0 $0x2;
	[bflag:$0x0] =	sbarrier.arrive $0xFFFF  }
0x52: {  	[hbm:s8], [sflag:s18] =	dma.local @!p0 [spmem:s9], $0x400  }
0x53: {  	_ =	swait.ge @!p0 [sflag:s19], $0x400  }
0x54: {  	[sflag:s19] =	ssyncset.done @!p0 $0x0  }
0x55: {  	[sflag:s19] =	ssyncadd.s32 @!p0 $0xFFFFFC00  }
0x56: {  	[tilespmem:s4], [sflag:$0x2] =	stream.linear.gather [hbm4b:s6+s4], $0x80, $0x38;
	[tilespmem:$0x2580] =	vst v63  }
0x57: {  	_ =	swait.ge [sflag:s2], $0x80  }
0x58: {  	[sflag:s2] =	ssyncset.done $0x0  }
0x59: {  	[sflag:s2] =	ssyncadd.s32 $0xFFFFFF80  }
0x5a: {  	[tilespmem:s5], [sflag:$0x2] =	stream.linear.gather [hbm4b:s7+s4], $0x80, $0x38;
	[tilespmem:$0x2580] =	vst v63  }
0x5b: {  	_ =	swait.ge [sflag:s2], $0x80  }
0x5c: {  	[sflag:s2] =	ssyncset.done $0x0  }
0x5d: {  	[sflag:s2] =	ssyncadd.s32 $0xFFFFFF80  }
0x5e: {  	[tilespmem:$0x2370] =	vst v0  }
0x5f: {  	[tilespmem:$0x2360] =	vst v0  }
0x60: {  	[tilespmem:$0x2350] =	vst v0  }
0x61: {  	[tilespmem:$0x2340] =	vst v0  }
0x62: {  	[tilespmem:$0x2330] =	vst v0  }
0x63: {  	[tilespmem:$0x2320] =	vst v0  }
0x64: {  	[tilespmem:$0x2310] =	vst v0  }
0x65: {  	[tilespmem:$0x2300] =	vst v0  }
0x66: {  	[tilespmem:$0x22F0] =	vst v0  }
0x67: {  	[tilespmem:$0x22E0] =	vst v0  }
0x68: {  	[tilespmem:$0x22D0] =	vst v0  }
0x69: {  	[tilespmem:$0x22C0] =	vst v0  }
0x6a: {  	[tilespmem:$0x22B0] =	vst v0  }
0x6b: {  	[tilespmem:$0x22A0] =	vst v0  }
0x6c: {  	[tilespmem:$0x2290] =	vst v0  }
0x6d: {  	[tilespmem:$0x2280] =	vst v0  }
0x6e: {  	[tilespmem:$0x2270] =	vst v0  }
0x6f: {  	[tilespmem:$0x2260] =	vst v0  }
0x70: {  	[tilespmem:$0x2250] =	vst v0  }
0x71: {  	[tilespmem:$0x2240] =	vst v0  }
0x72: {  	[tilespmem:$0x2230] =	vst v0  }
0x73: {  	[tilespmem:$0x2220] =	vst v0  }
0x74: {  	[tilespmem:$0x2210] =	vst v0  }
0x75: {  	[tilespmem:$0x2200] =	vst v0  }
0x76: {  	[tilespmem:$0x21F0] =	vst v0  }
0x77: {  	[tilespmem:$0x21E0] =	vst v0  }
.Ltmp1:
0x78: {  	[tilespmem:$0x21D0] =	vst v0;
	(pc) =	sbr.rel @p1 .LBB2_1-.Ltmp1, $4  }
0x79: {  	[tilespmem:$0x21C0] =	vst v0  }
0x7a: {  	[tilespmem:$0x21B0] =	vst v0  }
0x7b: {  	[tilespmem:$0x21A0] =	vst v0  }
0x7c: {  	[tilespmem:$0x2190] =	vst v0  }
.LBB2_2:
0x7d: {  	[tilespmem:$0x2180] =	vst v0  }
0x7e: {  	[tilespmem:$0x2170] =	vst v1  }
0x7f: {  	[tilespmem:$0x2160] =	vst v1  }
0x80: {  	[tilespmem:$0x2150] =	vst v1  }
0x81: {  	[tilespmem:$0x2140] =	vst v1  }
0x82: {  	[tilespmem:$0x2130] =	vst v1  }
0x83: {  	[tilespmem:$0x2120] =	vst v1  }
0x84: {  	[tilespmem:$0x2100] =	vst v1  }
0x85: {  	[tilespmem:$0x2110] =	vst v1  }
0x86: {  	[spmem:s14] =	stream.linear.scatter [tilespmem:s16], [sflag:$0x2], $0x200, $0x38;
	[tilespmem:$0x2580] =	vst v63  }
0x87: {  	_ =	swait.ge [sflag:s2], $0x200  }
0x88: {  	[sflag:s2] =	ssyncset.done $0x0  }
0x89: {  	[sflag:s2] =	ssyncadd.s32 $0xFFFFFE00  }
0x8a: {  	[tilespmem:s12], [sflag:$0x1] =	stream.indirect.gather [hbm4b:s3+s5], $0x20, s4, s5, $0xb8;
	[tilespmem:$0x2580] =	vst v63  }
0x8b: {  	_ = 	snop  }
0x8c: {  	[tilespmem:s15], [sflag:$0x1] =	stream.indirect.gather [hbm4b:s3+s5], $0x20, s5, s5, $0xb8;
	[tilespmem:$0x2580] =	vst v63  }
0x8d: {  	_ =	swait.ge [sflag:s11], $0x1000  }
0x8e: {  	[sflag:s11] =	ssyncset.done $0x0  }
0x8f: {  	[sflag:s11] =	ssyncadd.s32 $0xFFFFF000  }
0x90: {  	_ =	swait.ge [sflag:s11], $0x1000  }
0x91: {  	[sflag:s11] =	ssyncset.done $0x0  }
0x92: {  	[sflag:s11] =	ssyncadd.s32 $0xFFFFF000  }
0x93: {  	[hbm4b:s10+s4] =	stream.linear.scatter [tilespmem:s12], [sflag:$0x1], $0x2000, $0x38;
	[tilespmem:$0x2580] =	vst v63  }
0x94: {  	[bflag:$0x0] =	sbarrier.arrive $0xFFFF  }
0x95: {  	[spmem:s1] =	stream.indirect.scatter.add.f32 [tilespmem:s13], [sflag:$0x2], $0x1, s4, s5, $0xb8;
	[tilespmem:$0x2580] =	vst v63  }
0x96: {  	_ =	swait.ge [sflag:s2], $0x80  }
0x97: {  	[sflag:s2] =	ssyncset.done $0x0  }
0x98: {  	[sflag:s2] =	ssyncadd.s32 $0xFFFFFF80  }
0x99: {  	[spmem:s1] =	stream.indirect.scatter.add.f32 [tilespmem:s13], [sflag:$0x2], $0x1, s5, s5, $0xb8;
	[tilespmem:$0x2580] =	vst v63  }
0x9a: {  	_ =	swait.ge [sflag:s2], $0x80  }
0x9b: {  	[sflag:s2] =	ssyncset.done $0x0  }
0x9c: {  	[sflag:s2] =	ssyncadd.s32 $0xFFFFFF80  }
0x9d: {  	_ =	swait.ge [sflag:s11], $0x2000  }
0x9e: {  	[sflag:s11] =	ssyncset.done $0x0  }
0x9f: {  	[sflag:s11] =	ssyncadd.s32 $0xFFFFE000  }
0xa0: {  	s1 =	simm.s32 @!p0 $0x1C02;
	s2 =	simm.s32 @!p0 $0x2;
	[bflag:$0x0] =	sbarrier.arrive $0xFFFF  }
0xa1: {  	[hbm:s8], [sflag:s1] =	dma.local @!p0 [spmem:s9], $0x400  }
0xa2: {  	_ =	swait.ge @!p0 [sflag:s2], $0x400  }
0xa3: {  	[sflag:s2] =	ssyncset.done @!p0 $0x0  }
0xa4: {  	[sflag:s2] =	ssyncadd.s32 @!p0 $0xFFFFFC00  }
0xa5: {  	_ =	sfence.sel $0x180000  }
0xa6: {  	[bflag:$0x0] =	sbarrier.arrive $0xFFFF  }
0xa7: {  	_ =	strace $0x90000047  }
0xa8: {  	s0 =	sadd.s32 @!p0 $0x100000, s0;
	[bflag:$0x2] =	sbarrier.arrive $0xFFFF  }
0xa9: {  	[sflag:s0] =	ssyncadd.tile.s32 @!p0 $0x1;
	_ =	shalt  }
.Lfunc_end2:
_tile_overlayer_lowered:
.L_overlay_start_2:
0xaa: {  	(tag) =	ssettag $0x2  }
0xab: {  	s0 =	rddreg [dreg:$0x0];
	s2 =	stileid.u32  }
0xac: {  	s1 =	rddreg [dreg:$0x1];
	p0 =	sne.s32 s2, $0x0  }
0xad: {  	s3 =	rddreg [dreg:$0x2];
	[bflag:$0x3] =	sbarrier.arrive $0xFFFF;
	s2 =	simm.s32 @!p0 $0x1C02  }
0xae: {  	[timem:s3], [sflag:s2] =	dma.local @!p0 [hbm:s0], s1  }
0xaf: {  	s0 =	simm.s32 @!p0 $0x2  }
0xb0: {  	_ =	swait.ge @!p0 [sflag:s0], s1  }
0xb1: {  	s1 =	ssub.s32 @!p0 $0x0, s1;
	[sflag:s0] =	ssyncset.done @!p0 $0x0  }
0xb2: {  	[sflag:s0] =	ssyncadd.s32 @!p0 s1  }
0xb3: {  	[bflag:$0x3] =	sbarrier.arrive $0xFFFF  }
0xb4: {  	_ =	shalt  }

</sc_bundles>
